<compile_context>
chip_gen: v7x
topology: tpu7x:2x2x1
jax: 0.10.2.dev20260603
libtpu: 0.0.44.dev20260713+nightly
codegen_flags: <defaults>
</compile_context>

<pallas_src>
import functools

import jax
import jax.numpy as jnp
from jax import lax
from jax.experimental import pallas as pl
from jax.experimental.pallas import tpu as pltpu
from jax.experimental.pallas import tpu_sc as plsc

D = 768
H = 3072
E = 64
BLK = 64


def _gelu(v):
    return 0.5 * v * (1.0 + lax.erf(v * 0.7071067811865476))


def _gate_body(x_ref, gw_ref, gb_ref, bias_ref, eid_ref, w_ref):
    logits = lax.dot_general(
        x_ref[...], gw_ref[...], (((1,), (1,)), ((), ())),
        preferred_element_type=jnp.float32)
    logits = logits + gb_ref[...] + bias_ref[...]
    mx = jnp.max(logits, axis=1, keepdims=True)
    iota = lax.broadcasted_iota(jnp.int32, logits.shape, 1)
    eid_ref[...] = jnp.min(jnp.where(logits == mx, iota, E), axis=1,
                           keepdims=True)
    w_ref[...] = jax.nn.sigmoid(mx)


def _gating(xf, gate_w, gate_b, bias):
    t = xf.shape[0]
    return pl.pallas_call(
        _gate_body,
        out_shape=(
            jax.ShapeDtypeStruct((t, 1), jnp.int32),
            jax.ShapeDtypeStruct((t, 1), jnp.float32),
        ),
    )(xf, gate_w, gate_b.reshape(1, E), bias.reshape(1, E))


def _routing_meta(eid, t, g_max):
    onehot = (eid[:, None] == jnp.arange(E, dtype=jnp.int32)[None, :])
    counts = jnp.sum(onehot.astype(jnp.int32), axis=0)
    rank = jnp.take_along_axis(
        jnp.cumsum(onehot.astype(jnp.int32), axis=0), eid[:, None], 1)[:, 0] - 1
    nblk = (counts + BLK - 1) // BLK
    cs = jnp.cumsum(nblk)
    blk_start = jnp.concatenate([jnp.zeros((1,), jnp.int32), cs[:-1]])
    g_real = cs[-1]
    pos = blk_start[eid] * BLK + rank
    init = jnp.arange(g_max * BLK, dtype=jnp.int32) % t
    tok = init.at[pos].set(
        jnp.arange(t, dtype=jnp.int32), mode="drop", unique_indices=True)
    g_idx = jnp.arange(g_max, dtype=jnp.int32)
    be_raw = jnp.sum((g_idx[None, :] >= blk_start[:, None]).astype(jnp.int32),
                     axis=0) - 1
    last_e = jnp.max(jnp.where(counts > 0, jnp.arange(E, dtype=jnp.int32), -1))
    block_expert = jnp.where(g_idx < g_real, be_raw, last_e).astype(jnp.int32)
    return pos, tok, block_expert, g_real.astype(jnp.int32)


def _sc_gather_rows(table, idx, m, rows_per_chunk):
    nw = 32
    per_w = m // nw
    chunks = per_w // rows_per_chunk
    mesh = plsc.VectorSubcoreMesh(core_axis_name="c", subcore_axis_name="s")

    @functools.partial(
        pl.kernel,
        mesh=mesh,
        out_type=jax.ShapeDtypeStruct((m, D), jnp.float32),
        scratch_types=[
            pltpu.VMEM((rows_per_chunk,), jnp.int32),
            pltpu.VMEM((rows_per_chunk, D), jnp.float32),
            pltpu.SemaphoreType.DMA,
        ],
    )
    def k(table_hbm, idx_hbm, out_hbm, idx_v, rows_v, sem):
        wid = lax.axis_index("s") * 2 + lax.axis_index("c")
        base = wid * per_w
        for c in range(chunks):
            off = base + c * rows_per_chunk
            pltpu.sync_copy(idx_hbm.at[pl.ds(off, rows_per_chunk)], idx_v)
            pltpu.async_copy(table_hbm.at[idx_v], rows_v, sem).wait()
            pltpu.sync_copy(rows_v, out_hbm.at[pl.ds(off, rows_per_chunk)])

    return k(table, idx)


def _moe_body(be_ref, nblk_ref, xp_ref, w1_ref, b1_ref, w2_ref, b2_ref,
              out_ref):
    del be_ref
    g = pl.program_id(0)

    @pl.when(g < nblk_ref[0])
    def _():
        xb = xp_ref[...]
        h = lax.dot_general(xb, w1_ref[0], (((1,), (1,)), ((), ())),
                            preferred_element_type=jnp.float32)
        h = _gelu(h + b1_ref[0])
        y = lax.dot_general(h, w2_ref[0], (((1,), (1,)), ((), ())),
                            preferred_element_type=jnp.float32)
        out_ref[...] = y + b2_ref[0]


def _grouped_mlp(x_padded, ew1, eb1, ew2, eb2, block_expert, g_real, g_max):
    grid_spec = pltpu.PrefetchScalarGridSpec(
        num_scalar_prefetch=2,
        grid=(g_real,),
        in_specs=[
            pl.BlockSpec((BLK, D), lambda g, be, nb: (g, 0)),
            pl.BlockSpec((1, H, D), lambda g, be, nb: (be[g], 0, 0)),
            pl.BlockSpec((1, 1, H), lambda g, be, nb: (be[g], 0, 0)),
            pl.BlockSpec((1, D, H), lambda g, be, nb: (be[g], 0, 0)),
            pl.BlockSpec((1, 1, D), lambda g, be, nb: (be[g], 0, 0)),
        ],
        out_specs=pl.BlockSpec((BLK, D), lambda g, be, nb: (g, 0)),
    )
    return pl.pallas_call(
        _moe_body,
        grid_spec=grid_spec,
        out_shape=jax.ShapeDtypeStruct((g_max * BLK, D), jnp.float32),
        compiler_params=pltpu.CompilerParams(
            vmem_limit_bytes=110 * 1024 * 1024),
    )(block_expert, g_real.reshape(1), x_padded, ew1,
      eb1.reshape(E, 1, H), ew2, eb2.reshape(E, 1, D))


def _shared_body(x_ref, sw1_ref, sb1_ref, sw2_ref, sb2_ref, yt_ref, w_ref,
                 out_ref):
    h = lax.dot_general(x_ref[...], sw1_ref[...], (((1,), (1,)), ((), ())),
                        preferred_element_type=jnp.float32)
    h = _gelu(h + sb1_ref[...])
    y = lax.dot_general(h, sw2_ref[...], (((1,), (1,)), ((), ())),
                        preferred_element_type=jnp.float32)
    out_ref[...] = y + sb2_ref[...] + w_ref[...] * yt_ref[...]


def _shared_combine(xf, sw1, sb1, sw2, sb2, y_tok, w):
    t = xf.shape[0]
    tb = 256
    return pl.pallas_call(
        _shared_body,
        grid=(t // tb,),
        in_specs=[
            pl.BlockSpec((tb, D), lambda g: (g, 0)),
            pl.BlockSpec((H, D), lambda g: (0, 0)),
            pl.BlockSpec((1, H), lambda g: (0, 0)),
            pl.BlockSpec((D, H), lambda g: (0, 0)),
            pl.BlockSpec((1, D), lambda g: (0, 0)),
            pl.BlockSpec((tb, D), lambda g: (g, 0)),
            pl.BlockSpec((tb, 1), lambda g: (g, 0)),
        ],
        out_specs=pl.BlockSpec((tb, D), lambda g: (g, 0)),
        out_shape=jax.ShapeDtypeStruct((t, D), jnp.float32),
    )(xf, sw1, sb1.reshape(1, H), sw2, sb2.reshape(1, D), y_tok, w)


def kernel(x, gate_w, gate_b, bias, ew1, eb1, ew2, eb2, sw1, sb1, sw2, sb2):
    bs, var, ln, d = x.shape
    t = bs * var * ln
    g_max = E + t // BLK
    xf = x.reshape(t, d)

    eid2, w2d = _gating(xf, gate_w, gate_b, bias)
    eid = eid2[:, 0]
    pos, tok, block_expert, g_real = _routing_meta(eid, t, g_max)

    x_padded = _sc_gather_rows(xf, tok, g_max * BLK, 64)
    y_padded = _grouped_mlp(x_padded, ew1, eb1, ew2, eb2, block_expert,
                            g_real, g_max)
    y_tok = _sc_gather_rows(y_padded, pos, t, 64)
    out = _shared_combine(xf, sw1, sb1, sw2, sb2, y_tok, w2d)
    return out.reshape(bs, var, ln, d)

# --- scband reference (transcript-rebuilt; emitter-appended) ---
"""Pipeline reference for scband-deep-seek-mo-e-91336774516862 (READ-ONLY COPY).

The authoritative reference and input builder live on the scoring server;
editing this copy changes nothing except your own understanding.
"""

import jax, jax.numpy as jnp
import numpy as np

HIDDEN = 768
NUM_EXPERTS = 64
TOP_K = 1


def setup_inputs(seed: int = 0):
    key = jax.random.key(seed)
    ks = jax.random.split(key, 8)
    d = HIDDEN
    E = NUM_EXPERTS
    h = 4 * d
    s = 0.02
    return {
        "x": jax.random.normal(ks[0], (1, 1, 2048, d), dtype=jnp.float32),
        "gate_w": jax.random.normal(ks[1], (E, d), dtype=jnp.float32) * s,
        "gate_b": jnp.zeros((E,), dtype=jnp.float32),
        "bias": jnp.zeros((E,), dtype=jnp.float32),
        "ew1": jax.random.normal(ks[2], (E, h, d), dtype=jnp.float32) * s,
        "eb1": jnp.zeros((E, h), dtype=jnp.float32),
        "ew2": jax.random.normal(ks[3], (E, d, h), dtype=jnp.float32) * s,
        "eb2": jnp.zeros((E, d), dtype=jnp.float32),
        "sw1": jax.random.normal(ks[4], (h, d), dtype=jnp.float32) * s,
        "sb1": jnp.zeros((h,), dtype=jnp.float32),
        "sw2": jax.random.normal(ks[5], (d, h), dtype=jnp.float32) * s,
        "sb2": jnp.zeros((d,), dtype=jnp.float32),
    }


def reference(x, gate_w, gate_b, bias, ew1, eb1, ew2, eb2, sw1, sb1, sw2, sb2):
    bs, var, ln, d = x.shape
    xf = x.reshape(-1, d)
    # gate: sigmoid(Wx + b + routing_bias), as in torch forward
    scores = jax.nn.sigmoid(xf @ gate_w.T + gate_b + bias)
    top_scores, top_idx = jax.lax.top_k(scores, TOP_K)

    def body(combined, inp):
        e, w1, b1, w2, b2 = inp
        hit = top_idx == e
        sel = jnp.any(hit, axis=-1)
        pos = jnp.argmax(hit, axis=-1)
        w = jnp.take_along_axis(top_scores, pos[:, None], axis=-1)[:, 0]
        hh = jax.nn.gelu(xf @ w1.T + b1, approximate=False)
        out_e = hh @ w2.T + b2
        combined = combined + (sel * w)[:, None] * out_e
        return combined, None

    combined, _ = jax.lax.scan(
        body,
        jnp.zeros_like(xf),
        (jnp.arange(NUM_EXPERTS, dtype=top_idx.dtype), ew1, eb1, ew2, eb2),
    )
    shared = jax.nn.gelu(xf @ sw1.T + sb1, approximate=False) @ sw2.T + sb2
    return (shared + combined).reshape(bs, var, ln, d)

if __name__ == "__main__":
    import jax
    _d = setup_inputs()
    print(jax.jit(kernel)(*tuple(_d.values())))

</pallas_src>

<mosaic_0001>
#map = affine_map<(d0, d1) -> (0, 0)>
#map1 = affine_map<(d0, d1) -> (0)>
module attributes {stable_mosaic.version = 14 : i64} {
  func.func @k(%arg0: i32, %arg1: i32, %arg2: memref<2048x768xf32, #tpu.memory_space<hbm>>, %arg3: memref<6144xi32, #tpu.memory_space<hbm>>, %arg4: memref<6144x768xf32, #tpu.memory_space<hbm>>, %arg5: memref<64xi32, #tpu.memory_space<vmem>>, %arg6: memref<64x768xf32, #tpu.memory_space<vmem>>, %arg7: memref<!tpu.dma_semaphore, #tpu.memory_space<semaphore_mem>>) attributes {dimension_semantics = [#tpu.dimension_semantics<core_parallel>, #tpu.dimension_semantics<subcore_parallel>], iteration_bounds = array<i64: 2, 16>, scalar_prefetch = 0 : i64, scratch_operands = 3 : i64, tpu.core_type = #tpu.core_type<sc_vector_subcore>, window_params = [{transform_indices = #map}, {transform_indices = #map1}, {transform_indices = #map}]} {
    %mul3A = arith.constant 2 : i32
    %mul3A_0 = arith.muli %arg1, %mul3A : i32
    %add3A = arith.addi %mul3A_0, %arg0 : i32
    %mul3A_1 = arith.constant 192 : i32
    %mul3A_2 = arith.muli %add3A, %mul3A_1 : i32
    %add3A_3 = arith.constant 0 : i32
    %add3A_4 = arith.addi %mul3A_2, %add3A_3 : i32
    "tpu.region"() ({
      %run_scoped3A = tpu.sem_alloc : memref<!tpu.dma_semaphore, #tpu.memory_space<semaphore_mem>>
      %dma_start3A_25 = tpu.memref_slice %arg3[%add3A_4] : memref<6144xi32, #tpu.memory_space<hbm>> -> memref<64xi32, #tpu.memory_space<hbm>>
      %dma_start3A_26 = tpu.memref_slice %arg3[%add3A_4] : memref<6144xi32, #tpu.memory_space<hbm>> -> memref<64xi32, #tpu.memory_space<hbm>>
      tpu.enqueue_dma source(%dma_start3A_26 : memref<64xi32, #tpu.memory_space<hbm>>) target(%arg5 : memref<64xi32, #tpu.memory_space<vmem>>) target_semaphore(%run_scoped3A : memref<!tpu.dma_semaphore, #tpu.memory_space<semaphore_mem>>)
      %dma_wait3A_27 = tpu.memref_slice %arg3[%add3A_4] : memref<6144xi32, #tpu.memory_space<hbm>> -> memref<64xi32, #tpu.memory_space<hbm>>
      %dma_wait3A_28 = tpu.memref_slice %arg3[%add3A_4] : memref<6144xi32, #tpu.memory_space<hbm>> -> memref<64xi32, #tpu.memory_space<hbm>>
      tpu.wait_dma2 semaphore(%run_scoped3A : memref<!tpu.dma_semaphore, #tpu.memory_space<semaphore_mem>>) src(%dma_wait3A_28 : memref<64xi32, #tpu.memory_space<hbm>>) dst(%arg5 : memref<64xi32, #tpu.memory_space<vmem>>)
      tpu.yield
    }) : () -> ()
    %dma_start3A = arith.constant 0 : i32
    %dma_start3A_5 = arith.constant 0 : i32
    %dma_start3A_6 = tpu.memref_slice %arg2[%dma_start3A, %dma_start3A_5] : memref<2048x768xf32, #tpu.memory_space<hbm>> -> memref<2048x768xf32, #tpu.memory_space<hbm>>
    tpu.enqueue_indirect_dma source(%dma_start3A_6 : memref<2048x768xf32, #tpu.memory_space<hbm>>) target(%arg6 : memref<64x768xf32, #tpu.memory_space<vmem>>) offsets(%arg5 : memref<64xi32, #tpu.memory_space<vmem>>) semaphore(%arg7 : memref<!tpu.dma_semaphore, #tpu.memory_space<semaphore_mem>>)
    %dma_wait3A = arith.constant 0 : i32
    %dma_wait3A_7 = arith.constant 0 : i32
    %dma_wait3A_8 = tpu.memref_slice %arg2[%dma_wait3A, %dma_wait3A_7] : memref<2048x768xf32, #tpu.memory_space<hbm>> -> memref<2048x768xf32, #tpu.memory_space<hbm>>
    tpu.wait_indirect_dma semaphore(%arg7 : memref<!tpu.dma_semaphore, #tpu.memory_space<semaphore_mem>>) src(%dma_wait3A_8 : memref<2048x768xf32, #tpu.memory_space<hbm>>) dst(%arg6 : memref<64x768xf32, #tpu.memory_space<vmem>>)
    "tpu.region"() ({
      %run_scoped3A = tpu.sem_alloc : memref<!tpu.dma_semaphore, #tpu.memory_space<semaphore_mem>>
      %dma_start3A_25 = arith.constant 0 : i32
      %dma_start3A_26 = tpu.memref_slice %arg4[%add3A_4, %dma_start3A_25] : memref<6144x768xf32, #tpu.memory_space<hbm>> -> memref<64x768xf32, #tpu.memory_space<hbm>>
      %dma_start3A_27 = arith.constant 0 : i32
      %dma_start3A_28 = tpu.memref_slice %arg4[%add3A_4, %dma_start3A_27] : memref<6144x768xf32, #tpu.memory_space<hbm>> -> memref<64x768xf32, #tpu.memory_space<hbm>>
      tpu.enqueue_dma source(%arg6 : memref<64x768xf32, #tpu.memory_space<vmem>>) target(%dma_start3A_28 : memref<64x768xf32, #tpu.memory_space<hbm>>) target_semaphore(%run_scoped3A : memref<!tpu.dma_semaphore, #tpu.memory_space<semaphore_mem>>)
      %dma_wait3A_29 = arith.constant 0 : i32
      %dma_wait3A_30 = tpu.memref_slice %arg4[%add3A_4, %dma_wait3A_29] : memref<6144x768xf32, #tpu.memory_space<hbm>> -> memref<64x768xf32, #tpu.memory_space<hbm>>
      %dma_wait3A_31 = arith.constant 0 : i32
      %dma_wait3A_32 = tpu.memref_slice %arg4[%add3A_4, %dma_wait3A_31] : memref<6144x768xf32, #tpu.memory_space<hbm>> -> memref<64x768xf32, #tpu.memory_space<hbm>>
      tpu.wait_dma2 semaphore(%run_scoped3A : memref<!tpu.dma_semaphore, #tpu.memory_space<semaphore_mem>>) src(%arg6 : memref<64x768xf32, #tpu.memory_space<vmem>>) dst(%dma_wait3A_32 : memref<64x768xf32, #tpu.memory_space<hbm>>)
      tpu.yield
    }) : () -> ()
    %add3A_9 = arith.constant 64 : i32
    %add3A_10 = arith.addi %mul3A_2, %add3A_9 : i32
    "tpu.region"() ({
      %run_scoped3A = tpu.sem_alloc : memref<!tpu.dma_semaphore, #tpu.memory_space<semaphore_mem>>
      %dma_start3A_25 = tpu.memref_slice %arg3[%add3A_10] : memref<6144xi32, #tpu.memory_space<hbm>> -> memref<64xi32, #tpu.memory_space<hbm>>
      %dma_start3A_26 = tpu.memref_slice %arg3[%add3A_10] : memref<6144xi32, #tpu.memory_space<hbm>> -> memref<64xi32, #tpu.memory_space<hbm>>
      tpu.enqueue_dma source(%dma_start3A_26 : memref<64xi32, #tpu.memory_space<hbm>>) target(%arg5 : memref<64xi32, #tpu.memory_space<vmem>>) target_semaphore(%run_scoped3A : memref<!tpu.dma_semaphore, #tpu.memory_space<semaphore_mem>>)
      %dma_wait3A_27 = tpu.memref_slice %arg3[%add3A_10] : memref<6144xi32, #tpu.memory_space<hbm>> -> memref<64xi32, #tpu.memory_space<hbm>>
      %dma_wait3A_28 = tpu.memref_slice %arg3[%add3A_10] : memref<6144xi32, #tpu.memory_space<hbm>> -> memref<64xi32, #tpu.memory_space<hbm>>
      tpu.wait_dma2 semaphore(%run_scoped3A : memref<!tpu.dma_semaphore, #tpu.memory_space<semaphore_mem>>) src(%dma_wait3A_28 : memref<64xi32, #tpu.memory_space<hbm>>) dst(%arg5 : memref<64xi32, #tpu.memory_space<vmem>>)
      tpu.yield
    }) : () -> ()
    %dma_start3A_11 = arith.constant 0 : i32
    %dma_start3A_12 = arith.constant 0 : i32
    %dma_start3A_13 = tpu.memref_slice %arg2[%dma_start3A_11, %dma_start3A_12] : memref<2048x768xf32, #tpu.memory_space<hbm>> -> memref<2048x768xf32, #tpu.memory_space<hbm>>
    tpu.enqueue_indirect_dma source(%dma_start3A_13 : memref<2048x768xf32, #tpu.memory_space<hbm>>) target(%arg6 : memref<64x768xf32, #tpu.memory_space<vmem>>) offsets(%arg5 : memref<64xi32, #tpu.memory_space<vmem>>) semaphore(%arg7 : memref<!tpu.dma_semaphore, #tpu.memory_space<semaphore_mem>>)
    %dma_wait3A_14 = arith.constant 0 : i32
    %dma_wait3A_15 = arith.constant 0 : i32
    %dma_wait3A_16 = tpu.memref_slice %arg2[%dma_wait3A_14, %dma_wait3A_15] : memref<2048x768xf32, #tpu.memory_space<hbm>> -> memref<2048x768xf32, #tpu.memory_space<hbm>>
    tpu.wait_indirect_dma semaphore(%arg7 : memref<!tpu.dma_semaphore, #tpu.memory_space<semaphore_mem>>) src(%dma_wait3A_16 : memref<2048x768xf32, #tpu.memory_space<hbm>>) dst(%arg6 : memref<64x768xf32, #tpu.memory_space<vmem>>)
    "tpu.region"() ({
      %run_scoped3A = tpu.sem_alloc : memref<!tpu.dma_semaphore, #tpu.memory_space<semaphore_mem>>
      %dma_start3A_25 = arith.constant 0 : i32
      %dma_start3A_26 = tpu.memref_slice %arg4[%add3A_10, %dma_start3A_25] : memref<6144x768xf32, #tpu.memory_space<hbm>> -> memref<64x768xf32, #tpu.memory_space<hbm>>
      %dma_start3A_27 = arith.constant 0 : i32
      %dma_start3A_28 = tpu.memref_slice %arg4[%add3A_10, %dma_start3A_27] : memref<6144x768xf32, #tpu.memory_space<hbm>> -> memref<64x768xf32, #tpu.memory_space<hbm>>
      tpu.enqueue_dma source(%arg6 : memref<64x768xf32, #tpu.memory_space<vmem>>) target(%dma_start3A_28 : memref<64x768xf32, #tpu.memory_space<hbm>>) target_semaphore(%run_scoped3A : memref<!tpu.dma_semaphore, #tpu.memory_space<semaphore_mem>>)
      %dma_wait3A_29 = arith.constant 0 : i32
      %dma_wait3A_30 = tpu.memref_slice %arg4[%add3A_10, %dma_wait3A_29] : memref<6144x768xf32, #tpu.memory_space<hbm>> -> memref<64x768xf32, #tpu.memory_space<hbm>>
      %dma_wait3A_31 = arith.constant 0 : i32
      %dma_wait3A_32 = tpu.memref_slice %arg4[%add3A_10, %dma_wait3A_31] : memref<6144x768xf32, #tpu.memory_space<hbm>> -> memref<64x768xf32, #tpu.memory_space<hbm>>
      tpu.wait_dma2 semaphore(%run_scoped3A : memref<!tpu.dma_semaphore, #tpu.memory_space<semaphore_mem>>) src(%arg6 : memref<64x768xf32, #tpu.memory_space<vmem>>) dst(%dma_wait3A_32 : memref<64x768xf32, #tpu.memory_space<hbm>>)
      tpu.yield
    }) : () -> ()
    %add3A_17 = arith.constant 128 : i32
    %add3A_18 = arith.addi %mul3A_2, %add3A_17 : i32
    "tpu.region"() ({
      %run_scoped3A = tpu.sem_alloc : memref<!tpu.dma_semaphore, #tpu.memory_space<semaphore_mem>>
      %dma_start3A_25 = tpu.memref_slice %arg3[%add3A_18] : memref<6144xi32, #tpu.memory_space<hbm>> -> memref<64xi32, #tpu.memory_space<hbm>>
      %dma_start3A_26 = tpu.memref_slice %arg3[%add3A_18] : memref<6144xi32, #tpu.memory_space<hbm>> -> memref<64xi32, #tpu.memory_space<hbm>>
      tpu.enqueue_dma source(%dma_start3A_26 : memref<64xi32, #tpu.memory_space<hbm>>) target(%arg5 : memref<64xi32, #tpu.memory_space<vmem>>) target_semaphore(%run_scoped3A : memref<!tpu.dma_semaphore, #tpu.memory_space<semaphore_mem>>)
      %dma_wait3A_27 = tpu.memref_slice %arg3[%add3A_18] : memref<6144xi32, #tpu.memory_space<hbm>> -> memref<64xi32, #tpu.memory_space<hbm>>
      %dma_wait3A_28 = tpu.memref_slice %arg3[%add3A_18] : memref<6144xi32, #tpu.memory_space<hbm>> -> memref<64xi32, #tpu.memory_space<hbm>>
      tpu.wait_dma2 semaphore(%run_scoped3A : memref<!tpu.dma_semaphore, #tpu.memory_space<semaphore_mem>>) src(%dma_wait3A_28 : memref<64xi32, #tpu.memory_space<hbm>>) dst(%arg5 : memref<64xi32, #tpu.memory_space<vmem>>)
      tpu.yield
    }) : () -> ()
    %dma_start3A_19 = arith.constant 0 : i32
    %dma_start3A_20 = arith.constant 0 : i32
    %dma_start3A_21 = tpu.memref_slice %arg2[%dma_start3A_19, %dma_start3A_20] : memref<2048x768xf32, #tpu.memory_space<hbm>> -> memref<2048x768xf32, #tpu.memory_space<hbm>>
    tpu.enqueue_indirect_dma source(%dma_start3A_21 : memref<2048x768xf32, #tpu.memory_space<hbm>>) target(%arg6 : memref<64x768xf32, #tpu.memory_space<vmem>>) offsets(%arg5 : memref<64xi32, #tpu.memory_space<vmem>>) semaphore(%arg7 : memref<!tpu.dma_semaphore, #tpu.memory_space<semaphore_mem>>)
    %dma_wait3A_22 = arith.constant 0 : i32
    %dma_wait3A_23 = arith.constant 0 : i32
    %dma_wait3A_24 = tpu.memref_slice %arg2[%dma_wait3A_22, %dma_wait3A_23] : memref<2048x768xf32, #tpu.memory_space<hbm>> -> memref<2048x768xf32, #tpu.memory_space<hbm>>
    tpu.wait_indirect_dma semaphore(%arg7 : memref<!tpu.dma_semaphore, #tpu.memory_space<semaphore_mem>>) src(%dma_wait3A_24 : memref<2048x768xf32, #tpu.memory_space<hbm>>) dst(%arg6 : memref<64x768xf32, #tpu.memory_space<vmem>>)
    "tpu.region"() ({
      %run_scoped3A = tpu.sem_alloc : memref<!tpu.dma_semaphore, #tpu.memory_space<semaphore_mem>>
      %dma_start3A_25 = arith.constant 0 : i32
      %dma_start3A_26 = tpu.memref_slice %arg4[%add3A_18, %dma_start3A_25] : memref<6144x768xf32, #tpu.memory_space<hbm>> -> memref<64x768xf32, #tpu.memory_space<hbm>>
      %dma_start3A_27 = arith.constant 0 : i32
      %dma_start3A_28 = tpu.memref_slice %arg4[%add3A_18, %dma_start3A_27] : memref<6144x768xf32, #tpu.memory_space<hbm>> -> memref<64x768xf32, #tpu.memory_space<hbm>>
      tpu.enqueue_dma source(%arg6 : memref<64x768xf32, #tpu.memory_space<vmem>>) target(%dma_start3A_28 : memref<64x768xf32, #tpu.memory_space<hbm>>) target_semaphore(%run_scoped3A : memref<!tpu.dma_semaphore, #tpu.memory_space<semaphore_mem>>)
      %dma_wait3A_29 = arith.constant 0 : i32
      %dma_wait3A_30 = tpu.memref_slice %arg4[%add3A_18, %dma_wait3A_29] : memref<6144x768xf32, #tpu.memory_space<hbm>> -> memref<64x768xf32, #tpu.memory_space<hbm>>
      %dma_wait3A_31 = arith.constant 0 : i32
      %dma_wait3A_32 = tpu.memref_slice %arg4[%add3A_18, %dma_wait3A_31] : memref<6144x768xf32, #tpu.memory_space<hbm>> -> memref<64x768xf32, #tpu.memory_space<hbm>>
      tpu.wait_dma2 semaphore(%run_scoped3A : memref<!tpu.dma_semaphore, #tpu.memory_space<semaphore_mem>>) src(%arg6 : memref<64x768xf32, #tpu.memory_space<vmem>>) dst(%dma_wait3A_32 : memref<64x768xf32, #tpu.memory_space<hbm>>)
      tpu.yield
    }) : () -> ()
    return
  }
}

#map = affine_map<(d0, d1) -> (0, 0)>
#map1 = affine_map<(d0, d1) -> (0)>
module attributes {stable_mosaic.version = 14 : i64} {
  func.func @k(%arg0: i32, %arg1: i32, %arg2: memref<6144x768xf32, #tpu.memory_space<hbm>>, %arg3: memref<2048xi32, #tpu.memory_space<hbm>>, %arg4: memref<2048x768xf32, #tpu.memory_space<hbm>>, %arg5: memref<64xi32, #tpu.memory_space<vmem>>, %arg6: memref<64x768xf32, #tpu.memory_space<vmem>>, %arg7: memref<!tpu.dma_semaphore, #tpu.memory_space<semaphore_mem>>) attributes {dimension_semantics = [#tpu.dimension_semantics<core_parallel>, #tpu.dimension_semantics<subcore_parallel>], iteration_bounds = array<i64: 2, 16>, scalar_prefetch = 0 : i64, scratch_operands = 3 : i64, tpu.core_type = #tpu.core_type<sc_vector_subcore>, window_params = [{transform_indices = #map}, {transform_indices = #map1}, {transform_indices = #map}]} {
    %mul3A = arith.constant 2 : i32
    %mul3A_0 = arith.muli %arg1, %mul3A : i32
    %add3A = arith.addi %mul3A_0, %arg0 : i32
    %mul3A_1 = arith.constant 64 : i32
    %mul3A_2 = arith.muli %add3A, %mul3A_1 : i32
    %add3A_3 = arith.constant 0 : i32
    %add3A_4 = arith.addi %mul3A_2, %add3A_3 : i32
    "tpu.region"() ({
      %run_scoped3A = tpu.sem_alloc : memref<!tpu.dma_semaphore, #tpu.memory_space<semaphore_mem>>
      %dma_start3A_9 = tpu.memref_slice %arg3[%add3A_4] : memref<2048xi32, #tpu.memory_space<hbm>> -> memref<64xi32, #tpu.memory_space<hbm>>
      %dma_start3A_10 = tpu.memref_slice %arg3[%add3A_4] : memref<2048xi32, #tpu.memory_space<hbm>> -> memref<64xi32, #tpu.memory_space<hbm>>
      tpu.enqueue_dma source(%dma_start3A_10 : memref<64xi32, #tpu.memory_space<hbm>>) target(%arg5 : memref<64xi32, #tpu.memory_space<vmem>>) target_semaphore(%run_scoped3A : memref<!tpu.dma_semaphore, #tpu.memory_space<semaphore_mem>>)
      %dma_wait3A_11 = tpu.memref_slice %arg3[%add3A_4] : memref<2048xi32, #tpu.memory_space<hbm>> -> memref<64xi32, #tpu.memory_space<hbm>>
      %dma_wait3A_12 = tpu.memref_slice %arg3[%add3A_4] : memref<2048xi32, #tpu.memory_space<hbm>> -> memref<64xi32, #tpu.memory_space<hbm>>
      tpu.wait_dma2 semaphore(%run_scoped3A : memref<!tpu.dma_semaphore, #tpu.memory_space<semaphore_mem>>) src(%dma_wait3A_12 : memref<64xi32, #tpu.memory_space<hbm>>) dst(%arg5 : memref<64xi32, #tpu.memory_space<vmem>>)
      tpu.yield
    }) : () -> ()
    %dma_start3A = arith.constant 0 : i32
    %dma_start3A_5 = arith.constant 0 : i32
    %dma_start3A_6 = tpu.memref_slice %arg2[%dma_start3A, %dma_start3A_5] : memref<6144x768xf32, #tpu.memory_space<hbm>> -> memref<6144x768xf32, #tpu.memory_space<hbm>>
    tpu.enqueue_indirect_dma source(%dma_start3A_6 : memref<6144x768xf32, #tpu.memory_space<hbm>>) target(%arg6 : memref<64x768xf32, #tpu.memory_space<vmem>>) offsets(%arg5 : memref<64xi32, #tpu.memory_space<vmem>>) semaphore(%arg7 : memref<!tpu.dma_semaphore, #tpu.memory_space<semaphore_mem>>)
    %dma_wait3A = arith.constant 0 : i32
    %dma_wait3A_7 = arith.constant 0 : i32
    %dma_wait3A_8 = tpu.memref_slice %arg2[%dma_wait3A, %dma_wait3A_7] : memref<6144x768xf32, #tpu.memory_space<hbm>> -> memref<6144x768xf32, #tpu.memory_space<hbm>>
    tpu.wait_indirect_dma semaphore(%arg7 : memref<!tpu.dma_semaphore, #tpu.memory_space<semaphore_mem>>) src(%dma_wait3A_8 : memref<6144x768xf32, #tpu.memory_space<hbm>>) dst(%arg6 : memref<64x768xf32, #tpu.memory_space<vmem>>)
    "tpu.region"() ({
      %run_scoped3A = tpu.sem_alloc : memref<!tpu.dma_semaphore, #tpu.memory_space<semaphore_mem>>
      %dma_start3A_9 = arith.constant 0 : i32
      %dma_start3A_10 = tpu.memref_slice %arg4[%add3A_4, %dma_start3A_9] : memref<2048x768xf32, #tpu.memory_space<hbm>> -> memref<64x768xf32, #tpu.memory_space<hbm>>
      %dma_start3A_11 = arith.constant 0 : i32
      %dma_start3A_12 = tpu.memref_slice %arg4[%add3A_4, %dma_start3A_11] : memref<2048x768xf32, #tpu.memory_space<hbm>> -> memref<64x768xf32, #tpu.memory_space<hbm>>
      tpu.enqueue_dma source(%arg6 : memref<64x768xf32, #tpu.memory_space<vmem>>) target(%dma_start3A_12 : memref<64x768xf32, #tpu.memory_space<hbm>>) target_semaphore(%run_scoped3A : memref<!tpu.dma_semaphore, #tpu.memory_space<semaphore_mem>>)
      %dma_wait3A_13 = arith.constant 0 : i32
      %dma_wait3A_14 = tpu.memref_slice %arg4[%add3A_4, %dma_wait3A_13] : memref<2048x768xf32, #tpu.memory_space<hbm>> -> memref<64x768xf32, #tpu.memory_space<hbm>>
      %dma_wait3A_15 = arith.constant 0 : i32
      %dma_wait3A_16 = tpu.memref_slice %arg4[%add3A_4, %dma_wait3A_15] : memref<2048x768xf32, #tpu.memory_space<hbm>> -> memref<64x768xf32, #tpu.memory_space<hbm>>
      tpu.wait_dma2 semaphore(%run_scoped3A : memref<!tpu.dma_semaphore, #tpu.memory_space<semaphore_mem>>) src(%arg6 : memref<64x768xf32, #tpu.memory_space<vmem>>) dst(%dma_wait3A_16 : memref<64x768xf32, #tpu.memory_space<hbm>>)
      tpu.yield
    }) : () -> ()
    return
  }
}

module attributes {stable_mosaic.version = 14 : i64} {
  func.func @_gate_body(%arg0: memref<2048x768xf32, #tpu.memory_space<vmem>>, %arg1: memref<64x768xf32, #tpu.memory_space<vmem>>, %arg2: memref<1x64xf32, #tpu.memory_space<vmem>>, %arg3: memref<1x64xf32, #tpu.memory_space<vmem>>, %arg4: memref<2048x1xi32, #tpu.memory_space<vmem>>, %arg5: memref<2048x1xf32, #tpu.memory_space<vmem>>) attributes {dimension_semantics = [], scalar_prefetch = 0 : i64, scratch_operands = 0 : i64, tpu.core_type = #tpu.core_type<tc>} {
    %get3A = arith.constant 0 : index
    %get3A_0 = arith.constant 0 : index
    %get3A_1 = vector.load %arg0[%get3A, %get3A_0] : memref<2048x768xf32, #tpu.memory_space<vmem>>, vector<2048x768xf32>
    %get3A_2 = arith.constant 0 : index
    %get3A_3 = arith.constant 0 : index
    %get3A_4 = vector.load %arg1[%get3A_2, %get3A_3] : memref<64x768xf32, #tpu.memory_space<vmem>>, vector<64x768xf32>
    %dot_general3A = arith.constant dense<0.000000e+00> : vector<2048x64xf32>
    %dot_general3A_5 = tpu.matmul %get3A_1, %get3A_4, %dot_general3A {dimension_numbers = #tpu.dot_dimension_numbers<[1], [1], [0], [0], [0, 0, 1, 0], [], []>, transpose_lhs_hint = false} : vector<2048x768xf32>, vector<64x768xf32>, vector<2048x64xf32> -> vector<2048x64xf32>
    %get3A_6 = arith.constant 0 : index
    %get3A_7 = arith.constant 0 : index
    %get3A_8 = vector.load %arg2[%get3A_6, %get3A_7] : memref<1x64xf32, #tpu.memory_space<vmem>>, vector<1x64xf32>
    %add3A = vector.broadcast %get3A_8 : vector<1x64xf32> to vector<2048x64xf32>
    %add3A_9 = arith.addf %dot_general3A_5, %add3A : vector<2048x64xf32>
    %get3A_10 = arith.constant 0 : index
    %get3A_11 = arith.constant 0 : index
    %get3A_12 = vector.load %arg3[%get3A_10, %get3A_11] : memref<1x64xf32, #tpu.memory_space<vmem>>, vector<1x64xf32>
    %add3A_13 = vector.broadcast %get3A_12 : vector<1x64xf32> to vector<2048x64xf32>
    %add3A_14 = arith.addf %add3A_9, %add3A_13 : vector<2048x64xf32>
    %reduce_max3A = arith.constant dense<0xFF800000> : vector<2048xf32>
    %reduce_max3A_15 = vector.multi_reduction <maximumf>, %add3A_14, %reduce_max3A [1] : vector<2048x64xf32> to vector<2048xf32>
    %broadcast_in_dim3A = vector.shape_cast %reduce_max3A_15 : vector<2048xf32> to vector<2048x1xf32>
    %iota3A = tpu.iota {dimensions = array<i32: 1>} : vector<2048x64xi32>
    %eq3A = vector.broadcast %broadcast_in_dim3A : vector<2048x1xf32> to vector<2048x64xf32>
    %eq3A_16 = arith.cmpf oeq, %add3A_14, %eq3A : vector<2048x64xf32>
    %jit3A = arith.constant 64 : i32
    %broadcast_in_dim3A_17 = vector.broadcast %jit3A : i32 to vector<2048x64xi32>
    %select_n3A = arith.select %eq3A_16, %iota3A, %broadcast_in_dim3A_17 : vector<2048x64xi1>, vector<2048x64xi32>
    %reduce_min3A = arith.constant dense<2147483647> : vector<2048xi32>
    %reduce_min3A_18 = vector.multi_reduction <minsi>, %select_n3A, %reduce_min3A [1] : vector<2048x64xi32> to vector<2048xi32>
    %broadcast_in_dim3A_19 = vector.shape_cast %reduce_min3A_18 : vector<2048xi32> to vector<2048x1xi32>
    %swap3A = arith.constant 0 : index
    %swap3A_20 = arith.constant 0 : index
    %swap3A_21 = vector.load %arg4[%swap3A, %swap3A_20] : memref<2048x1xi32, #tpu.memory_space<vmem>>, vector<2048x1xi32>
    tpu.vector_store %arg4[%swap3A, %swap3A_20], %broadcast_in_dim3A_19 {strides = array<i32>} : memref<2048x1xi32, #tpu.memory_space<vmem>>, vector<2048x1xi32>,
    %logistic3A = arith.negf %broadcast_in_dim3A : vector<2048x1xf32>
    %logistic3A_22 = math.exp %logistic3A : vector<2048x1xf32>
    %logistic3A_23 = arith.constant 1.000000e+00 : f32
    %logistic3A_24 = vector.broadcast %logistic3A_23 : f32 to vector<2048x1xf32>
    %logistic3A_25 = arith.addf %logistic3A_24, %logistic3A_22 : vector<2048x1xf32>
    %logistic3A_26 = arith.divf %logistic3A_24, %logistic3A_25 : vector<2048x1xf32>
    %swap3A_27 = arith.constant 0 : index
    %swap3A_28 = arith.constant 0 : index
    %swap3A_29 = vector.load %arg5[%swap3A_27, %swap3A_28] : memref<2048x1xf32, #tpu.memory_space<vmem>>, vector<2048x1xf32>
    tpu.vector_store %arg5[%swap3A_27, %swap3A_28], %logistic3A_26 {strides = array<i32>} : memref<2048x1xf32, #tpu.memory_space<vmem>>, vector<2048x1xf32>,
    return
  }
}

module attributes {stable_mosaic.version = 14 : i64} {
  func.func @_moe_body(%arg0: i32, %arg1: memref<96xi32, #tpu.memory_space<smem>>, %arg2: memref<1xi32, #tpu.memory_space<smem>>, %arg3: memref<64x768xf32, #tpu.memory_space<vmem>>, %arg4: memref<1x3072x768xf32, #tpu.memory_space<vmem>>, %arg5: memref<1x1x3072xf32, #tpu.memory_space<vmem>>, %arg6: memref<1x768x3072xf32, #tpu.memory_space<vmem>>, %arg7: memref<1x1x768xf32, #tpu.memory_space<vmem>>, %arg8: memref<64x768xf32, #tpu.memory_space<vmem>>) attributes {dimension_semantics = [#tpu.dimension_semantics<arbitrary>], iteration_bounds = array<i64: -9223372036854775808>, scalar_prefetch = 2 : i64, scratch_operands = 0 : i64, tpu.core_type = #tpu.core_type<tc>, window_params = [{transform_indices = @transform_0, window_bounds = array<i64: 64, 768>}, {transform_indices = @transform_1, window_bounds = array<i64: 1, 3072, 768>}, {transform_indices = @transform_2, window_bounds = array<i64: 1, 1, 3072>}, {transform_indices = @transform_3, window_bounds = array<i64: 1, 768, 3072>}, {transform_indices = @transform_4, window_bounds = array<i64: 1, 1, 768>}, {transform_indices = @transform_5, window_bounds = array<i64: 64, 768>}]} {
    %get3A = arith.constant 0 : index
    %get3A_0 = memref.load %arg2[%get3A] : memref<1xi32, #tpu.memory_space<smem>>
    %lt3A = arith.cmpi slt, %arg0, %get3A_0 : i32
    %convert_element_type3A = arith.extui %lt3A : i1 to i32
    %cond3A = arith.constant 0 : i32
    %cond3A_1 = arith.cmpi ne, %convert_element_type3A, %cond3A : i32
    scf.if %cond3A_1 {
      %get3A_2 = arith.constant 0 : index
      %get3A_3 = arith.constant 0 : index
      %get3A_4 = vector.load %arg3[%get3A_2, %get3A_3] : memref<64x768xf32, #tpu.memory_space<vmem>>, vector<64x768xf32>
      %get3A_5 = arith.constant 0 : index
      %get3A_6 = arith.constant 0 : index
      %get3A_7 = arith.constant 0 : index
      %get3A_8 = vector.load %arg4[%get3A_5, %get3A_6, %get3A_7] : memref<1x3072x768xf32, #tpu.memory_space<vmem>>, vector<1x3072x768xf32>
      %get3A_9 = vector.shape_cast %get3A_8 : vector<1x3072x768xf32> to vector<3072x768xf32>
      %dot_general3A = arith.constant dense<0.000000e+00> : vector<64x3072xf32>
      %dot_general3A_10 = tpu.matmul %get3A_4, %get3A_9, %dot_general3A {dimension_numbers = #tpu.dot_dimension_numbers<[1], [1], [0], [0], [0, 0, 1, 0], [], []>, transpose_lhs_hint = false} : vector<64x768xf32>, vector<3072x768xf32>, vector<64x3072xf32> -> vector<64x3072xf32>
      %get3A_11 = arith.constant 0 : index
      %get3A_12 = arith.constant 0 : index
      %get3A_13 = arith.constant 0 : index
      %get3A_14 = vector.load %arg5[%get3A_11, %get3A_12, %get3A_13] : memref<1x1x3072xf32, #tpu.memory_space<vmem>>, vector<1x1x3072xf32>
      %get3A_15 = vector.shape_cast %get3A_14 : vector<1x1x3072xf32> to vector<1x3072xf32>
      %add3A = vector.broadcast %get3A_15 : vector<1x3072xf32> to vector<64x3072xf32>
      %add3A_16 = arith.addf %dot_general3A_10, %add3A : vector<64x3072xf32>
      %mul3A = arith.constant 5.000000e-01 : f32
      %mul3A_17 = vector.broadcast %mul3A : f32 to vector<64x3072xf32>
      %mul3A_18 = arith.mulf %mul3A_17, %add3A_16 : vector<64x3072xf32>
      %mul3A_19 = arith.constant 0.707106769 : f32
      %mul3A_20 = vector.broadcast %mul3A_19 : f32 to vector<64x3072xf32>
      %mul3A_21 = arith.mulf %add3A_16, %mul3A_20 : vector<64x3072xf32>
      %erf3A = math.erf %mul3A_21 : vector<64x3072xf32>
      %add3A_22 = arith.constant 1.000000e+00 : f32
      %add3A_23 = vector.broadcast %add3A_22 : f32 to vector<64x3072xf32>
      %add3A_24 = arith.addf %add3A_23, %erf3A : vector<64x3072xf32>
      %mul3A_25 = arith.mulf %mul3A_18, %add3A_24 : vector<64x3072xf32>
      %get3A_26 = arith.constant 0 : index
      %get3A_27 = arith.constant 0 : index
      %get3A_28 = arith.constant 0 : index
      %get3A_29 = vector.load %arg6[%get3A_26, %get3A_27, %get3A_28] : memref<1x768x3072xf32, #tpu.memory_space<vmem>>, vector<1x768x3072xf32>
      %get3A_30 = vector.shape_cast %get3A_29 : vector<1x768x3072xf32> to vector<768x3072xf32>
      %dot_general3A_31 = arith.constant dense<0.000000e+00> : vector<64x768xf32>
      %dot_general3A_32 = tpu.matmul %mul3A_25, %get3A_30, %dot_general3A_31 {dimension_numbers = #tpu.dot_dimension_numbers<[1], [1], [0], [0], [0, 0, 1, 0], [], []>, transpose_lhs_hint = false} : vector<64x3072xf32>, vector<768x3072xf32>, vector<64x768xf32> -> vector<64x768xf32>
      %get3A_33 = arith.constant 0 : index
      %get3A_34 = arith.constant 0 : index
      %get3A_35 = arith.constant 0 : index
      %get3A_36 = vector.load %arg7[%get3A_33, %get3A_34, %get3A_35] : memref<1x1x768xf32, #tpu.memory_space<vmem>>, vector<1x1x768xf32>
      %get3A_37 = vector.shape_cast %get3A_36 : vector<1x1x768xf32> to vector<1x768xf32>
      %add3A_38 = vector.broadcast %get3A_37 : vector<1x768xf32> to vector<64x768xf32>
      %add3A_39 = arith.addf %dot_general3A_32, %add3A_38 : vector<64x768xf32>
      %swap3A = arith.constant 0 : index
      %swap3A_40 = arith.constant 0 : index
      %swap3A_41 = vector.load %arg8[%swap3A, %swap3A_40] : memref<64x768xf32, #tpu.memory_space<vmem>>, vector<64x768xf32>
      tpu.vector_store %arg8[%swap3A, %swap3A_40], %add3A_39 {strides = array<i32>} : memref<64x768xf32, #tpu.memory_space<vmem>>, vector<64x768xf32>,
    } else {
    }
    return
  }
  func.func @transform_0(%arg0: i32, %arg1: memref<96xi32, #tpu.memory_space<smem>>, %arg2: memref<1xi32, #tpu.memory_space<smem>>) -> (i32, i32) {
    %c0_i32 = arith.constant 0 : i32
    %c0_i32_0 = arith.constant 0 : i32
    return %arg0, %c0_i32 : i32, i32
  }
  func.func @transform_1(%arg0: i32, %arg1: memref<96xi32, #tpu.memory_space<smem>>, %arg2: memref<1xi32, #tpu.memory_space<smem>>) -> (i32, i32, i32) {
    %get3A = arith.index_cast %arg0 : i32 to index
    %get3A_0 = memref.load %arg1[%get3A] : memref<96xi32, #tpu.memory_space<smem>>
    %c0_i32 = arith.constant 0 : i32
    %c0_i32_1 = arith.constant 0 : i32
    %c0_i32_2 = arith.constant 0 : i32
    return %get3A_0, %c0_i32, %c0_i32_1 : i32, i32, i32
  }
  func.func @transform_2(%arg0: i32, %arg1: memref<96xi32, #tpu.memory_space<smem>>, %arg2: memref<1xi32, #tpu.memory_space<smem>>) -> (i32, i32, i32) {
    %get3A = arith.index_cast %arg0 : i32 to index
    %get3A_0 = memref.load %arg1[%get3A] : memref<96xi32, #tpu.memory_space<smem>>
    %c0_i32 = arith.constant 0 : i32
    %c0_i32_1 = arith.constant 0 : i32
    %c0_i32_2 = arith.constant 0 : i32
    return %get3A_0, %c0_i32, %c0_i32_1 : i32, i32, i32
  }
  func.func @transform_3(%arg0: i32, %arg1: memref<96xi32, #tpu.memory_space<smem>>, %arg2: memref<1xi32, #tpu.memory_space<smem>>) -> (i32, i32, i32) {
    %get3A = arith.index_cast %arg0 : i32 to index
    %get3A_0 = memref.load %arg1[%get3A] : memref<96xi32, #tpu.memory_space<smem>>
    %c0_i32 = arith.constant 0 : i32
    %c0_i32_1 = arith.constant 0 : i32
    %c0_i32_2 = arith.constant 0 : i32
    return %get3A_0, %c0_i32, %c0_i32_1 : i32, i32, i32
  }
  func.func @transform_4(%arg0: i32, %arg1: memref<96xi32, #tpu.memory_space<smem>>, %arg2: memref<1xi32, #tpu.memory_space<smem>>) -> (i32, i32, i32) {
    %get3A = arith.index_cast %arg0 : i32 to index
    %get3A_0 = memref.load %arg1[%get3A] : memref<96xi32, #tpu.memory_space<smem>>
    %c0_i32 = arith.constant 0 : i32
    %c0_i32_1 = arith.constant 0 : i32
    %c0_i32_2 = arith.constant 0 : i32
    return %get3A_0, %c0_i32, %c0_i32_1 : i32, i32, i32
  }
  func.func @transform_5(%arg0: i32, %arg1: memref<96xi32, #tpu.memory_space<smem>>, %arg2: memref<1xi32, #tpu.memory_space<smem>>) -> (i32, i32) {
    %c0_i32 = arith.constant 0 : i32
    %c0_i32_0 = arith.constant 0 : i32
    return %arg0, %c0_i32 : i32, i32
  }
}

module attributes {stable_mosaic.version = 14 : i64} {
  func.func @_shared_body(%arg0: i32, %arg1: memref<256x768xf32, #tpu.memory_space<vmem>>, %arg2: memref<3072x768xf32, #tpu.memory_space<vmem>>, %arg3: memref<1x3072xf32, #tpu.memory_space<vmem>>, %arg4: memref<768x3072xf32, #tpu.memory_space<vmem>>, %arg5: memref<1x768xf32, #tpu.memory_space<vmem>>, %arg6: memref<256x768xf32, #tpu.memory_space<vmem>>, %arg7: memref<256x1xf32, #tpu.memory_space<vmem>>, %arg8: memref<256x768xf32, #tpu.memory_space<vmem>>) attributes {dimension_semantics = [#tpu.dimension_semantics<arbitrary>], iteration_bounds = array<i64: 8>, scalar_prefetch = 0 : i64, scratch_operands = 0 : i64, tpu.core_type = #tpu.core_type<tc>, window_params = [{transform_indices = @transform_0, window_bounds = array<i64: 256, 768>}, {pipeline_mode = #tpu.pipeline_mode<synchronous>, transform_indices = @transform_1, window_bounds = array<i64: 3072, 768>}, {pipeline_mode = #tpu.pipeline_mode<synchronous>, transform_indices = @transform_2, window_bounds = array<i64: 1, 3072>}, {pipeline_mode = #tpu.pipeline_mode<synchronous>, transform_indices = @transform_3, window_bounds = array<i64: 768, 3072>}, {pipeline_mode = #tpu.pipeline_mode<synchronous>, transform_indices = @transform_4, window_bounds = array<i64: 1, 768>}, {transform_indices = @transform_5, window_bounds = array<i64: 256, 768>}, {transform_indices = @transform_6, window_bounds = array<i64: 256, 1>}, {transform_indices = @transform_7, window_bounds = array<i64: 256, 768>}]} {
    %get3A = arith.constant 0 : index
    %get3A_0 = arith.constant 0 : index
    %get3A_1 = vector.load %arg1[%get3A, %get3A_0] : memref<256x768xf32, #tpu.memory_space<vmem>>, vector<256x768xf32>
    %get3A_2 = arith.constant 0 : index
    %get3A_3 = arith.constant 0 : index
    %get3A_4 = vector.load %arg2[%get3A_2, %get3A_3] : memref<3072x768xf32, #tpu.memory_space<vmem>>, vector<3072x768xf32>
    %dot_general3A = arith.constant dense<0.000000e+00> : vector<256x3072xf32>
    %dot_general3A_5 = tpu.matmul %get3A_1, %get3A_4, %dot_general3A {dimension_numbers = #tpu.dot_dimension_numbers<[1], [1], [0], [0], [0, 0, 1, 0], [], []>, transpose_lhs_hint = false} : vector<256x768xf32>, vector<3072x768xf32>, vector<256x3072xf32> -> vector<256x3072xf32>
    %get3A_6 = arith.constant 0 : index
    %get3A_7 = arith.constant 0 : index
    %get3A_8 = vector.load %arg3[%get3A_6, %get3A_7] : memref<1x3072xf32, #tpu.memory_space<vmem>>, vector<1x3072xf32>
    %add3A = vector.broadcast %get3A_8 : vector<1x3072xf32> to vector<256x3072xf32>
    %add3A_9 = arith.addf %dot_general3A_5, %add3A : vector<256x3072xf32>
    %mul3A = arith.constant 5.000000e-01 : f32
    %mul3A_10 = vector.broadcast %mul3A : f32 to vector<256x3072xf32>
    %mul3A_11 = arith.mulf %mul3A_10, %add3A_9 : vector<256x3072xf32>
    %mul3A_12 = arith.constant 0.707106769 : f32
    %mul3A_13 = vector.broadcast %mul3A_12 : f32 to vector<256x3072xf32>
    %mul3A_14 = arith.mulf %add3A_9, %mul3A_13 : vector<256x3072xf32>
    %erf3A = math.erf %mul3A_14 : vector<256x3072xf32>
    %add3A_15 = arith.constant 1.000000e+00 : f32
    %add3A_16 = vector.broadcast %add3A_15 : f32 to vector<256x3072xf32>
    %add3A_17 = arith.addf %add3A_16, %erf3A : vector<256x3072xf32>
    %mul3A_18 = arith.mulf %mul3A_11, %add3A_17 : vector<256x3072xf32>
    %get3A_19 = arith.constant 0 : index
    %get3A_20 = arith.constant 0 : index
    %get3A_21 = vector.load %arg4[%get3A_19, %get3A_20] : memref<768x3072xf32, #tpu.memory_space<vmem>>, vector<768x3072xf32>
    %dot_general3A_22 = arith.constant dense<0.000000e+00> : vector<256x768xf32>
    %dot_general3A_23 = tpu.matmul %mul3A_18, %get3A_21, %dot_general3A_22 {dimension_numbers = #tpu.dot_dimension_numbers<[1], [1], [0], [0], [0, 0, 1, 0], [], []>, transpose_lhs_hint = false} : vector<256x3072xf32>, vector<768x3072xf32>, vector<256x768xf32> -> vector<256x768xf32>
    %get3A_24 = arith.constant 0 : index
    %get3A_25 = arith.constant 0 : index
    %get3A_26 = vector.load %arg5[%get3A_24, %get3A_25] : memref<1x768xf32, #tpu.memory_space<vmem>>, vector<1x768xf32>
    %add3A_27 = vector.broadcast %get3A_26 : vector<1x768xf32> to vector<256x768xf32>
    %add3A_28 = arith.addf %dot_general3A_23, %add3A_27 : vector<256x768xf32>
    %get3A_29 = arith.constant 0 : index
    %get3A_30 = arith.constant 0 : index
    %get3A_31 = vector.load %arg7[%get3A_29, %get3A_30] : memref<256x1xf32, #tpu.memory_space<vmem>>, vector<256x1xf32>
    %get3A_32 = arith.constant 0 : index
    %get3A_33 = arith.constant 0 : index
    %get3A_34 = vector.load %arg6[%get3A_32, %get3A_33] : memref<256x768xf32, #tpu.memory_space<vmem>>, vector<256x768xf32>
    %mul3A_35 = vector.broadcast %get3A_31 : vector<256x1xf32> to vector<256x768xf32>
    %mul3A_36 = arith.mulf %mul3A_35, %get3A_34 : vector<256x768xf32>
    %add3A_37 = arith.addf %add3A_28, %mul3A_36 : vector<256x768xf32>
    %swap3A = arith.constant 0 : index
    %swap3A_38 = arith.constant 0 : index
    %swap3A_39 = vector.load %arg8[%swap3A, %swap3A_38] : memref<256x768xf32, #tpu.memory_space<vmem>>, vector<256x768xf32>
    tpu.vector_store %arg8[%swap3A, %swap3A_38], %add3A_37 {strides = array<i32>} : memref<256x768xf32, #tpu.memory_space<vmem>>, vector<256x768xf32>,
    return
  }
  func.func @transform_0(%arg0: i32) -> (i32, i32) {
    %c0_i32 = arith.constant 0 : i32
    %c0_i32_0 = arith.constant 0 : i32
    return %arg0, %c0_i32 : i32, i32
  }
  func.func @transform_1(%arg0: i32) -> (i32, i32) {
    %c0_i32 = arith.constant 0 : i32
    %c0_i32_0 = arith.constant 0 : i32
    %c0_i32_1 = arith.constant 0 : i32
    return %c0_i32, %c0_i32_0 : i32, i32
  }
  func.func @transform_2(%arg0: i32) -> (i32, i32) {
    %c0_i32 = arith.constant 0 : i32
    %c0_i32_0 = arith.constant 0 : i32
    %c0_i32_1 = arith.constant 0 : i32
    return %c0_i32, %c0_i32_0 : i32, i32
  }
  func.func @transform_3(%arg0: i32) -> (i32, i32) {
    %c0_i32 = arith.constant 0 : i32
    %c0_i32_0 = arith.constant 0 : i32
    %c0_i32_1 = arith.constant 0 : i32
    return %c0_i32, %c0_i32_0 : i32, i32
  }
  func.func @transform_4(%arg0: i32) -> (i32, i32) {
    %c0_i32 = arith.constant 0 : i32
    %c0_i32_0 = arith.constant 0 : i32
    %c0_i32_1 = arith.constant 0 : i32
    return %c0_i32, %c0_i32_0 : i32, i32
  }
  func.func @transform_5(%arg0: i32) -> (i32, i32) {
    %c0_i32 = arith.constant 0 : i32
    %c0_i32_0 = arith.constant 0 : i32
    return %arg0, %c0_i32 : i32, i32
  }
  func.func @transform_6(%arg0: i32) -> (i32, i32) {
    %c0_i32 = arith.constant 0 : i32
    %c0_i32_0 = arith.constant 0 : i32
    return %arg0, %c0_i32 : i32, i32
  }
  func.func @transform_7(%arg0: i32) -> (i32, i32) {
    %c0_i32 = arith.constant 0 : i32
    %c0_i32_0 = arith.constant 0 : i32
    return %arg0, %c0_i32 : i32, i32
  }
}

</mosaic_0001>

<sc_bundles>
// kernel: gather_offload_async_start
scs
__scs_entry_jumppad:
0x0: {  	(pc) =	sbr.rel $0x88, $3  }
0x1: {  	(tag) =	ssettag $0x0;
	lr =	simm.s32 $0x1  }
0x2: {  	[smem:$0x3F95] =	sst lr;
	_ =	strace $0xD0000000  }
0x3: {  	_ = 	snop  }
0x4: {  	_ = 	snop  }
0x5: {  	_ = 	snop  }
0x6: {  	_ = 	snop  }
0x7: {  	_ = 	snop  }
__scs_overlays_trampoline_lowered:
0x8: {  	[smem:$0x3FA4] =	sst s0  }
0x9: {  	[smem:$0x3FA5] =	sst s1  }
0xa: {  	[smem:$0x3FA6] =	sst s2  }
0xb: {  	[smem:$0x3FA7] =	sst s3  }
0xc: {  	[smem:$0x3FA8] =	sst s4  }
0xd: {  	[smem:$0x3FA9] =	sst s5  }
0xe: {  	[smem:$0x3FAA] =	sst s6  }
0xf: {  	[smem:$0x3FAB] =	sst s7  }
0x10: {  	[smem:$0x3FAC] =	sst s8  }
0x11: {  	[smem:$0x3FAD] =	sst s9;
	s0 =	simm.s32 @!p0 $0x0  }
0x12: {  	s1 =	sld [smem:$0x3F93];
	s0 =	simm.s32 @p0 $0x1  }
0x13: {  	[smem:$0x3FAE] =	sst s0;
	s0 =	simm.s32 @!p1 $0x0  }
0x14: {  	s2 =	sld [smem:$0x3F92];
	s0 =	simm.s32 @p1 $0x1  }
0x15: {  	[smem:$0x3FAF] =	sst s0;
	s0 =	simm.s32 @!p2 $0x0  }
0x16: {  	s3 =	sld [smem:$0x3FDB];
	s0 =	simm.s32 @p2 $0x1  }
0x17: {  	s4 =	simm.s32 $0x1BF5;
	[smem:$0x3FB1] =	sst s0  }
0x18: {  	s0 =	sld [smem:$0x3F94];
	_ =	swait.ge [sflag:s4], $0x0  }
0x19: {  	s7 =	sld [smem:$0x3F95]  }
0x1a: {  	s8 =	sadd.s32 $0xFFFFE003, lr  }
0x1b: {  	s9 =	sadd.s32 $0xFFFFFEF7, lr;
	s5 =	simm.s32 $0xFFFFFFFF;
	p2 =	slt.u32 s8, $0xFFFFF086  }
0x1c: {  	p1 =	slt.u32 s9, $0xF7A;
	s5 =	simm.s32 @!p2 $0x0  }
0x1d: {  	s5 =	simm.s32 @p1 $0x1;
	p0 =	seq.s32 s7, s2  }
0x1e: {  	s7 =	smul.u32 @!p0 $0xF7A, s2;
	p2 =	seq.s32 @!p0 s5, $0x0  }
0x1f: {  	s9 =	smul.u32 $0xF7A, s1;
	s8 =	simm.s32 @!p0 $0x1BF5;
	p2 =	por !p2, p0  }
0x20: {  	[sflag:s8] =	ssyncset.s32 @!p0 $0xFFFFF086;
	s6 =	sadd.s32 @!p0 s3, s7;
	s7 =	simm.s32 @!p0 $0x108  }
0x21: {  	s3 =	sadd.s32 s3, s9;
	s6 =	sadd.s32 @!p0 $0x88, s6;
	s7 =	simm.s32 @p2 $0x1082  }
0x22: {  	[simem:s7], [sflag:s8] =	dma.local @!p0 [hbm:s6], $0xF7A  }
0x23: {  	s9 =	sor.u32 $0xD0000000, s2;
	s6 =	simm.s32 $0x108;
	_ =	swait.ge @!p0 [sflag:s8], $0x0  }
0x24: {  	s3 =	sadd.s32 $0x88, s3;
	s6 =	simm.s32 @!p1 $0x1082;
	[sflag:s4] =	ssyncset.s32 $0xFFFFF086  }
0x25: {  	[simem:s6], [sflag:s4] =	dma.local [hbm:s3], $0xF7A  }
0x26: {  	[smem:$0x3F95] =	sst s1;
	(tag) =	ssettag s2;
	_ =	strace s9  }
0x27: {  	s1 =	sld [smem:$0x3FA5]  }
0x28: {  	s2 =	sld [smem:$0x3FA6]  }
0x29: {  	s4 =	sld [smem:$0x3FA8]  }
0x2a: {  	p0 =	seq.s32 s5, $0x0;
	s5 =	sld [smem:$0x3FA9]  }
0x2b: {  	s6 =	sld [smem:$0x3FAA]  }
0x2c: {  	s7 =	sld [smem:$0x3FAB]  }
0x2d: {  	s3 =	simm.s32 $0x108;
	s8 =	sld [smem:$0x3FAC]  }
0x2e: {  	s3 =	simm.s32 @!p0 $0x1082;
	s9 =	sld [smem:$0x3FAD]  }
0x2f: {  	lr =	sadd.s32 s0, s3;
	s0 =	sld [smem:$0x3FA4]  }
0x30: {  	s3 =	sld [smem:$0x3FA7]  }
0x31: {  	[smem:$0x3FB0] =	sst s10  }
0x32: {  	s10 =	sld [smem:$0x3FAE];
	_ =	sdelay $0x3  }
0x33: {  	p0 =	seq.s32 s10, $0x1;
	s10 =	sld [smem:$0x3FB0];
	_ =	sdelay $0x3  }
0x34: {  	[smem:$0x3FB0] =	sst s10  }
0x35: {  	s10 =	sld [smem:$0x3FAF];
	_ =	sdelay $0x3  }
0x36: {  	p1 =	seq.s32 s10, $0x1;
	s10 =	sld [smem:$0x3FB0];
	_ =	sdelay $0x3  }
0x37: {  	[smem:$0x3FB0] =	sst s10  }
0x38: {  	s10 =	sld [smem:$0x3FB1]  }
0x39: {  	_ = 	snop;
	(pc) =	sbr.ind lr, $3  }
0x3a: {  	_ = 	snop  }
0x3b: {  	_ = 	snop  }
0x3c: {  	p2 =	seq.s32 s10, $0x1;
	s10 =	sld [smem:$0x3FB0]  }
0x3d: {  	_ =	shalt  }
0x3e: {  	_ =	shalt  }
0x3f: {  	_ =	shalt  }
0x40: {  	_ =	shalt  }
0x41: {  	_ =	shalt  }
0x42: {  	_ =	shalt  }
0x43: {  	_ =	shalt  }
0x44: {  	_ =	shalt  }
0x45: {  	_ =	shalt  }
0x46: {  	_ =	shalt  }
0x47: {  	_ =	shalt  }
0x48: {  	_ =	shalt  }
0x49: {  	_ =	shalt  }
0x4a: {  	_ =	shalt  }
0x4b: {  	_ =	shalt  }
0x4c: {  	_ =	shalt  }
0x4d: {  	_ =	shalt  }
0x4e: {  	_ =	shalt  }
0x4f: {  	_ =	shalt  }
0x50: {  	_ =	shalt  }
0x51: {  	_ =	shalt  }
0x52: {  	_ =	shalt  }
0x53: {  	_ =	shalt  }
0x54: {  	_ =	shalt  }
0x55: {  	_ =	shalt  }
0x56: {  	_ =	shalt  }
0x57: {  	_ =	shalt  }
0x58: {  	_ =	shalt  }
0x59: {  	_ =	shalt  }
0x5a: {  	_ =	shalt  }
0x5b: {  	_ =	shalt  }
0x5c: {  	_ =	shalt  }
0x5d: {  	_ =	shalt  }
0x5e: {  	_ =	shalt  }
0x5f: {  	_ =	shalt  }
0x60: {  	_ =	shalt  }
0x61: {  	_ =	shalt  }
0x62: {  	_ =	shalt  }
0x63: {  	_ =	shalt  }
0x64: {  	_ =	shalt  }
0x65: {  	_ =	shalt  }
0x66: {  	_ =	shalt  }
0x67: {  	_ =	shalt  }
0x68: {  	_ =	shalt  }
0x69: {  	_ =	shalt  }
0x6a: {  	_ =	shalt  }
0x6b: {  	_ =	shalt  }
0x6c: {  	_ =	shalt  }
0x6d: {  	_ =	shalt  }
0x6e: {  	_ =	shalt  }
0x6f: {  	_ =	shalt  }
0x70: {  	_ =	shalt  }
0x71: {  	_ =	shalt  }
0x72: {  	_ =	shalt  }
0x73: {  	_ =	shalt  }
0x74: {  	_ =	shalt  }
0x75: {  	_ =	shalt  }
0x76: {  	_ =	shalt  }
0x77: {  	_ =	shalt  }
0x78: {  	_ =	shalt  }
0x79: {  	_ =	shalt  }
0x7a: {  	_ =	shalt  }
0x7b: {  	_ =	shalt  }
0x7c: {  	_ =	shalt  }
0x7d: {  	_ =	shalt  }
0x7e: {  	_ =	shalt  }
0x7f: {  	_ =	shalt  }
0x80: {  	_ =	shalt  }
0x81: {  	_ =	shalt  }
0x82: {  	_ =	shalt  }
0x83: {  	_ =	shalt  }
0x84: {  	_ =	shalt  }
0x85: {  	_ =	shalt  }
0x86: {  	_ =	shalt  }
0x87: {  	_ =	shalt  }
.Lfunc_end0:
.L_simem_size_0:
called_computation_lowered:
.L_overlay_start_0:
0x88: {  	s2 =	sld [smem:$0x3FD9]  }
0x89: {  	s3 =	sld [smem:$0x3FFE];
	_ =	sdelay $0x1  }
0x8a: {  	s1 =	srdreg.scid  }
0x8b: {  	s0 =	sand.u32 $0x1, s1  }
0x8c: {  	s17 =	sshll.u32 s0, $0xA;
	s2 =	sadd.s32 s3, s2  }
0x8d: {  	s2 =	sadd.s32 s2, s17  }
0x8e: {  	[smem:$0x3FBC] =	sst s2  }
0x8f: {  	_ = 	snop  }
0x90: {  	s2 =	sld [smem:$0x3FD0];
	(tm) =	ssettm $0x1  }
0x91: {  	s18 =	sld [smem:$0x3FFB];
	_ =	sdelay $0x3  }
0x92: {  	_ =	strace s18  }
0x93: {  	s3 =	sld [smem:$0x3FFC];
	_ =	sdelay $0x3  }
0x94: {  	_ =	strace s3  }
0x95: {  	s3 =	sld [smem:$0x3FFD];
	_ =	sdelay $0x3  }
0x96: {  	_ =	strace s3  }
0x97: {  	_ =	strace $0x8FFFFFFF  }
0x98: {  	s19 =	sld [smem:$0x3FDB];
	_ =	sdelay $0x1  }
0x99: {  	s4 =	simm.s32 $_scs_section_size  }
0x9a: {  	s5 =	simm.s32 $_size__tile_overlayer_lowered;
	s6 =	simm.s32 $_tile_overlayer_lowered  }
0x9b: {  	s22 =	simm.s32 $0x1BFF;
	s21 =	sshll.u32 s6, $0x1;
	s3 =	sadd.s32 s4, s19  }
0x9c: {  	s7 =	simm.s32 $0x0;
	s20 =	sshll.u32 s5, $0x1;
	s5 =	sadd.s32 s21, s3  }
0x9d: {  	[timem:s7], [sflag:s22] =	dma.local [hbm:s5], s20  }
0x9e: {  	_ =	swait.ge [sflag:s22], s20  }
0x9f: {  	s4 =	ssub.s32 $0x0, s20;
	[sflag:s22] =	ssyncset.done $0x0  }
0xa0: {  	[sflag:s22] =	ssyncadd.s32 s4;
	_ =	sdelay $0x1  }
0xa1: {  	s23 =	simm.s32 $0x1B8B  }
0xa2: {  	_ =	swait.ge [sflag:s23], $0x1  }
0xa3: {  	[sflag:s23] =	ssyncset.done $0x0  }
0xa4: {  	s25 =	simm.s32 $0x1B8E;
	s24 =	sld [smem:$0x3FFE];
	[sflag:s23] =	ssyncadd.s32 $0xFFFFFFFF  }
0xa5: {  	s26 =	simm.s32 $execute0_lowered;
	[smem:$0x3FD2] =	sst s25  }
0xa6: {  	s5 =	sshll.u32 s26, $0x1;
	_ =	strace $0x80000046;
	[dreg:$0x1] =	wrdreg $0xFFFFFFFF  }
0xa7: {  	s28 =	simm.s32 $_size_execute0_lowered;
	s3 =	sadd.s32 s3, s5;
	[dreg:$0x0] =	wrdreg $0x0  }
0xa8: {  	s5 =	sshll.u32 s28, $0x1;
	[dreg:$0x2] =	wrdreg s3  }
0xa9: {  	[dreg:$0x3] =	wrdreg s5  }
0xaa: {  	[dreg:$0x4] =	wrdreg $0xC0  }
0xab: {  	_ =	task [dreg:s7], $0x5FFFF  }
0xac: {  	[dreg:$0x1] =	wrdreg $0xFFFFFFFF  }
0xad: {  	[dreg:$0x0] =	wrdreg $0x60  }
0xae: {  	[dreg:$0x2] =	wrdreg s2  }
0xaf: {  	[dreg:$0x3] =	wrdreg s24  }
0xb0: {  	[dreg:$0x4] =	wrdreg $0x9  }
0xb1: {  	_ =	task.clear_ibuf [dreg:s7], $0x5FFFF;
	_ =	strace $0x90000046  }
0xb2: {  	s29 =	simm.s32 $0x9;
	_ =	strace $0x80000048  }
0xb3: {  	_ =	swait.ge [sflag:s29], $0x1  }
0xb4: {  	[sflag:s29] =	ssyncadd.s32 $0xFFFFFFFF  }
0xb5: {  	_ =	strace $0x90000048  }
0xb6: {  	_ =	sfence  }
0xb7: {  	s30 =	sld [smem:$0x0];
	_ =	sdelay $0x2  }
0xb8: {  	s31 =	sshll.u32 s1, $0xD;
	s1 =	sshrl.u32 s1, $0x2  }
0xb9: {  	s3 =	sand.u32 $0x4000, s31;
	s1 =	sadd.s32 s1, s30  }
0xba: {  	s0 =	sor.u32 s3, s0;
	s1 =	sshll.u32 s1, $0x11  }
0xbb: {  	s0 =	sor.u32 s1, s0  }
0xbc: {  	s0 =	sadd.s32 $0x8F2B, s0  }
0xbd: {  	[sflag:s0] =	ssyncadd.remote.s32 $0x1  }
0xbe: {  	_ =	sfence.sel $0xFFFF  }
0xbf: {  	[dreg:$0x0] =	wrdreg $0xFFFFFFFF;
	(pc) =	sbr.abs _section_cstart, $3  }
0xc0: {  	[dreg:$0x1] =	wrdreg $0xFFFFFFFF  }
0xc1: {  	_ =	task.clear_ibuf [dreg:s7], $0x2FFFF;
	_ =	strace $0x9FFFFFFF  }
0xc2: {  	(tm) =	ssettm $0x7FFFFFFF  }
0xc3: {  	_ =	shalt  }
tec
execute0_lowered:
.L_overlay_start_1:
0x0: {  	(tag) =	ssettag $0x1  }
0x1: {  	s1 =	srdreg.scid;
	s2 =	rddreg [dreg:$0x0]  }
0x2: {  	s0 =	stileid.u32;
	s8 =	rddreg [dreg:$0x1]  }
0x3: {  	s5 =	simm.s32 $0x1;
	s9 =	simm.s32 $0x1;
	s1 =	sshll.u32 s1, $0x5  }
0x4: {  	s10 =	simm.s32 $0x3;
	s3 =	sshll.u32 s0, $0x6;
	s4 =	sand.u32 $0x20, s1  }
0x5: {  	s13 =	simm.s32 $0x0;
	s12 =	simm.s32 $0x0;
	s3 =	sor.u32 s3, s4  }
0x6: {  	s1 =	rddreg [dreg:$0x2];
	_ =	strace $0x80000047;
	s7 =	ssub.s32 $0x800, s3  }
.Ltmp0:
0x7: {  	s4 =	sadd.s32 $0xB200, s8;
	s6 =	sand.u32 $0x3E0, s7;
	(pc) =	sbr.rel .LBB2_1-.Ltmp0, $4  }
0x8: {  	[sflag:s5] =	ssyncpa.u1 $0x0;
	s8 =	sadd.s32 $0x8000, s8;
	p0 =	sne.s32 s6, $0x0  }
0x9: {  	s7 =	sshrl.u32 s7, $0xA;
	s6 =	simm.s32 $0x2;
	s9 =	simm.s32 @!p0 $0x0  }
0xa: {  	s11 =	smov.u32 s3;
	[sflag:s6] =	ssyncpa.u1 $0x0;
	s7 =	sadd.s32 s9, s7  }
0xb: {  	vm0 =	vmmov $0xffff;
	[sflag:s10] =	ssyncpa.u1 $0x0;
	s10 =	simm.s32 $0x0;
	s9 =	sadd.s32 $0x1, s7  }
.LBB2_5:
0xc: {  	s15 =	sadd.s32 $0x400, s11  }
0xd: {  	p1 =	sgt.s32 s15, $0x7FF  }
0xe: {  	s15 =	smov.u32 @p1 s3;
	p1 =	sne.s32 s12, s9  }
.Ltmp1:
0xf: {  	p0 =	slt.u32 s12, $0x2;
	(pc) =	sbr.rel @!p1 .LBB2_6-.Ltmp1, $4  }
0x10: {  	s14 =	simm.s32 @!p0 $0x3  }
0x11: {  	_ =	swait.ge @!p0 [sflag:s14], $0x20  }
0x12: {  	s16 =	sadd.s32 $0x1, s12;
	s13 =	smov.u32 s11;
	[sflag:s14] =	ssyncset.done @!p0 $0x0  }
0x13: {  	s12 =	smov.u32 s16;
	s11 =	smov.u32 s15;
	[sflag:s14] =	ssyncadd.s32 @!p0 $0xFFFFFFE0  }
.LBB2_1:
0x14: {  	p0 =	sge.u32 s12, s7  }
0x15: {  	s14 =	sxor.u32 @!p0 $0xFFFFFFFF, s12  }
0x16: {  	s31 =	sadd.s32 $0xFFFFFFFF, s12;
	s15 =	sshrl.u32 @!p0 s11, $0x3;
	s14 =	sshll.u32 @!p0 s14, $0x5  }
0x17: {  	s16 =	sand.u32 @!p0 $0x7, s11;
	s15 =	sadd.s32 @!p0 s4, s15;
	s14 =	sand.u32 @!p0 $0x20, s14  }
0x18: {  	[tilespmem:s14], [sflag:$0x2] =	stream.linear.gather @!p0 [hbm4b:s15+s16], $0x20, $0x38;
	[tilespmem:$0x80] =	vst v63  }
0x19: {  	p0 =	sge.u32 s31, s7  }
.Ltmp2:
0x1a: {  	_ = 	snop;
	(pc) =	sbr.rel @p0 .LBB2_5-.Ltmp2, $1  }
0x1b: {  	_ =	sdelay $0x3  }
0x1c: {  	_ =	swait.ge [sflag:s6], $0x20;
	s14 =	sshll.u32 s12, $0x5;
	s16 =	simm.s32 $0x0  }
0x1d: {  	p0 =	por $0x1, $0x1;
	[sflag:s6] =	ssyncset.done $0x0;
	s15 =	sand.u32 $0x20, s14  }
0x1e: {  	[sflag:s6] =	ssyncadd.s32 $0xFFFFFFE0;
	(ifvalue) =	ssetifvalue $0x7FFFFFFF;
	s14 =	sor.u32 $0x40, s15  }
.LBB2_3:
0x1f: {  	s17 =	sadd.s32 s16, s15  }
0x20: {  	v0 =	vld.msk [tilespmem:s17+$0x0 ss:$0x1], $0xffff;
	_ =	sdelay $0x4  }
0x21: {  	v1 =	vshrl.u32 v0, $0xB  }
0x22: {  	vm1 =	veq.s32 v0, $0x80000000;
	v0 =	vand.u32 $0x7FF, v0;
	v1 =	vand.u32 $0x3F, v1  }
0x23: {  	v0 =	vsel vm1, $0xFFFFFFFF, v0;
	v1 =	vsel vm1, $0xFFFFFFFF, v1  }
0x24: {  	v3 =	vshll.u32 v0, $0x3;
	v2 =	vshll.u32 v1, $0xB  }
0x25: {  	v3 =	vand.u32 $0xFFFFFC00, v3;
	v1 =	vshll.u32 v1, $0x7;
	v2 =	vand.u32 $0xFFFFC000, v2  }
0x26: {  	v1 =	vand.u32 $0x380, v1;
	v2 =	vadd.s32 v3, v2  }
0x27: {  	v0 =	vand.u32 $0x7F, v0;
	v1 =	vor.u32 v1, v2  }
0x28: {  	p1 =	por p0, p0;
	v0 =	vor.u32 v0, v1  }
.Ltmp3:
0x29: {  	_ = 	snop;
	(pc) =	sbr.rel @p1 .LBB2_3-.Ltmp3, $4  }
0x2a: {  	_ = 	snop  }
0x2b: {  	s31 =	sadd.s32 s16, s14  }
0x2c: {  	s16 =	simm.s32 $0x10;
	p0 =	por $0x0, $0x0;
	(ifvalue) =	ssetifvalue $0x7FFFFFFF  }
0x2d: {  	[tilespmem:s31], [sflag:$0x1] =	stream.indirect_vreg.gather [hbm4b:s2+s10], $0x1, v0, vm0, $0x4038;
	[tilespmem:$0x80] =	vst v63  }
.Ltmp4:
0x2e: {  	(pc) =	sbr.rel .LBB2_5-.Ltmp4, $4  }
0x2f: {  	_ =	swait.ge [sflag:s5], $0x20  }
0x30: {  	s15 =	sshrl.u32 s13, $0x3;
	[sflag:s5] =	ssyncset.done $0x0  }
0x31: {  	s31 =	sand.u32 $0x7, s13;
	s15 =	sadd.s32 s8, s15;
	[sflag:s5] =	ssyncadd.s32 $0xFFFFFFE0  }
0x32: {  	[hbm4b:s15+s31] =	stream.linear.scatter [tilespmem:s14], [sflag:$0x3], $0x20, $0x38;
	[tilespmem:$0x80] =	vst v63  }
.LBB2_6:
0x33: {  	_ =	sfence.sel $0x180000  }
0x34: {  	s2 =	simm.s32 $0x2;
	[bflag:$0x0] =	sbarrier.arrive $0xFFFF  }
0x35: {  	s30 =	simm.s32 $0x3;
	[sflag:s2] =	ssyncpa.u1 $0x1  }
0x36: {  	s31 =	simm.s32 $0x1;
	[sflag:s30] =	ssyncpa.u1 $0x1  }
0x37: {  	[sflag:s31] =	ssyncpa.u1 $0x1  }
0x38: {  	p0 =	sne.s32 s0, $0x0;
	_ =	strace $0x90000047  }
0x39: {  	s0 =	sadd.s32 @!p0 $0x100000, s1;
	[bflag:$0x2] =	sbarrier.arrive $0xFFFF  }
0x3a: {  	[sflag:s0] =	ssyncadd.tile.s32 @!p0 $0x1;
	_ =	shalt  }
.Lfunc_end2:
_tile_overlayer_lowered:
.L_overlay_start_2:
0x3b: {  	(tag) =	ssettag $0x2  }
0x3c: {  	s0 =	rddreg [dreg:$0x0];
	s2 =	stileid.u32  }
0x3d: {  	s1 =	rddreg [dreg:$0x1];
	p0 =	sne.s32 s2, $0x0  }
0x3e: {  	s3 =	rddreg [dreg:$0x2];
	[bflag:$0x3] =	sbarrier.arrive $0xFFFF;
	s2 =	simm.s32 @!p0 $0x1C01  }
0x3f: {  	[timem:s3], [sflag:s2] =	dma.local @!p0 [hbm:s0], s1  }
0x40: {  	s0 =	simm.s32 @!p0 $0x1  }
0x41: {  	_ =	swait.ge @!p0 [sflag:s0], s1  }
0x42: {  	s1 =	ssub.s32 @!p0 $0x0, s1;
	[sflag:s0] =	ssyncset.done @!p0 $0x0  }
0x43: {  	[sflag:s0] =	ssyncadd.s32 @!p0 s1  }
0x44: {  	[bflag:$0x3] =	sbarrier.arrive $0xFFFF  }
0x45: {  	_ =	shalt  }

// kernel: kernel.10.cloned.1.call-start
scs
__scs_entry_jumppad:
0x0: {  	(pc) =	sbr.rel $0x88, $3  }
0x1: {  	(tag) =	ssettag $0x0;
	lr =	simm.s32 $0x1  }
0x2: {  	[smem:$0x3F95] =	sst lr;
	_ =	strace $0xD0000000  }
0x3: {  	_ = 	snop  }
0x4: {  	_ = 	snop  }
0x5: {  	_ = 	snop  }
0x6: {  	_ = 	snop  }
0x7: {  	_ = 	snop  }
__scs_overlays_trampoline_lowered:
0x8: {  	[smem:$0x3FA4] =	sst s0  }
0x9: {  	[smem:$0x3FA5] =	sst s1  }
0xa: {  	[smem:$0x3FA6] =	sst s2  }
0xb: {  	[smem:$0x3FA7] =	sst s3  }
0xc: {  	[smem:$0x3FA8] =	sst s4  }
0xd: {  	[smem:$0x3FA9] =	sst s5  }
0xe: {  	[smem:$0x3FAA] =	sst s6  }
0xf: {  	[smem:$0x3FAB] =	sst s7  }
0x10: {  	[smem:$0x3FAC] =	sst s8  }
0x11: {  	[smem:$0x3FAD] =	sst s9;
	s0 =	simm.s32 @!p0 $0x0  }
0x12: {  	s1 =	sld [smem:$0x3F93];
	s0 =	simm.s32 @p0 $0x1  }
0x13: {  	[smem:$0x3FAE] =	sst s0;
	s0 =	simm.s32 @!p1 $0x0  }
0x14: {  	s2 =	sld [smem:$0x3F92];
	s0 =	simm.s32 @p1 $0x1  }
0x15: {  	[smem:$0x3FAF] =	sst s0;
	s0 =	simm.s32 @!p2 $0x0  }
0x16: {  	s3 =	sld [smem:$0x3FDB];
	s0 =	simm.s32 @p2 $0x1  }
0x17: {  	s4 =	simm.s32 $0x1BF5;
	[smem:$0x3FB1] =	sst s0  }
0x18: {  	s0 =	sld [smem:$0x3F94];
	_ =	swait.ge [sflag:s4], $0x0  }
0x19: {  	s7 =	sld [smem:$0x3F95]  }
0x1a: {  	s8 =	sadd.s32 $0xFFFFE003, lr  }
0x1b: {  	s9 =	sadd.s32 $0xFFFFFEF7, lr;
	s5 =	simm.s32 $0xFFFFFFFF;
	p2 =	slt.u32 s8, $0xFFFFF086  }
0x1c: {  	p1 =	slt.u32 s9, $0xF7A;
	s5 =	simm.s32 @!p2 $0x0  }
0x1d: {  	s5 =	simm.s32 @p1 $0x1;
	p0 =	seq.s32 s7, s2  }
0x1e: {  	s7 =	smul.u32 @!p0 $0xF7A, s2;
	p2 =	seq.s32 @!p0 s5, $0x0  }
0x1f: {  	s9 =	smul.u32 $0xF7A, s1;
	s8 =	simm.s32 @!p0 $0x1BF5;
	p2 =	por !p2, p0  }
0x20: {  	[sflag:s8] =	ssyncset.s32 @!p0 $0xFFFFF086;
	s6 =	sadd.s32 @!p0 s3, s7;
	s7 =	simm.s32 @!p0 $0x108  }
0x21: {  	s3 =	sadd.s32 s3, s9;
	s6 =	sadd.s32 @!p0 $0x88, s6;
	s7 =	simm.s32 @p2 $0x1082  }
0x22: {  	[simem:s7], [sflag:s8] =	dma.local @!p0 [hbm:s6], $0xF7A  }
0x23: {  	s9 =	sor.u32 $0xD0000000, s2;
	s6 =	simm.s32 $0x108;
	_ =	swait.ge @!p0 [sflag:s8], $0x0  }
0x24: {  	s3 =	sadd.s32 $0x88, s3;
	s6 =	simm.s32 @!p1 $0x1082;
	[sflag:s4] =	ssyncset.s32 $0xFFFFF086  }
0x25: {  	[simem:s6], [sflag:s4] =	dma.local [hbm:s3], $0xF7A  }
0x26: {  	[smem:$0x3F95] =	sst s1;
	(tag) =	ssettag s2;
	_ =	strace s9  }
0x27: {  	s1 =	sld [smem:$0x3FA5]  }
0x28: {  	s2 =	sld [smem:$0x3FA6]  }
0x29: {  	s4 =	sld [smem:$0x3FA8]  }
0x2a: {  	p0 =	seq.s32 s5, $0x0;
	s5 =	sld [smem:$0x3FA9]  }
0x2b: {  	s6 =	sld [smem:$0x3FAA]  }
0x2c: {  	s7 =	sld [smem:$0x3FAB]  }
0x2d: {  	s3 =	simm.s32 $0x108;
	s8 =	sld [smem:$0x3FAC]  }
0x2e: {  	s3 =	simm.s32 @!p0 $0x1082;
	s9 =	sld [smem:$0x3FAD]  }
0x2f: {  	lr =	sadd.s32 s0, s3;
	s0 =	sld [smem:$0x3FA4]  }
0x30: {  	s3 =	sld [smem:$0x3FA7]  }
0x31: {  	[smem:$0x3FB0] =	sst s10  }
0x32: {  	s10 =	sld [smem:$0x3FAE];
	_ =	sdelay $0x3  }
0x33: {  	p0 =	seq.s32 s10, $0x1;
	s10 =	sld [smem:$0x3FB0];
	_ =	sdelay $0x3  }
0x34: {  	[smem:$0x3FB0] =	sst s10  }
0x35: {  	s10 =	sld [smem:$0x3FAF];
	_ =	sdelay $0x3  }
0x36: {  	p1 =	seq.s32 s10, $0x1;
	s10 =	sld [smem:$0x3FB0];
	_ =	sdelay $0x3  }
0x37: {  	[smem:$0x3FB0] =	sst s10  }
0x38: {  	s10 =	sld [smem:$0x3FB1]  }
0x39: {  	_ = 	snop;
	(pc) =	sbr.ind lr, $3  }
0x3a: {  	_ = 	snop  }
0x3b: {  	_ = 	snop  }
0x3c: {  	p2 =	seq.s32 s10, $0x1;
	s10 =	sld [smem:$0x3FB0]  }
0x3d: {  	_ =	shalt  }
0x3e: {  	_ =	shalt  }
0x3f: {  	_ =	shalt  }
0x40: {  	_ =	shalt  }
0x41: {  	_ =	shalt  }
0x42: {  	_ =	shalt  }
0x43: {  	_ =	shalt  }
0x44: {  	_ =	shalt  }
0x45: {  	_ =	shalt  }
0x46: {  	_ =	shalt  }
0x47: {  	_ =	shalt  }
0x48: {  	_ =	shalt  }
0x49: {  	_ =	shalt  }
0x4a: {  	_ =	shalt  }
0x4b: {  	_ =	shalt  }
0x4c: {  	_ =	shalt  }
0x4d: {  	_ =	shalt  }
0x4e: {  	_ =	shalt  }
0x4f: {  	_ =	shalt  }
0x50: {  	_ =	shalt  }
0x51: {  	_ =	shalt  }
0x52: {  	_ =	shalt  }
0x53: {  	_ =	shalt  }
0x54: {  	_ =	shalt  }
0x55: {  	_ =	shalt  }
0x56: {  	_ =	shalt  }
0x57: {  	_ =	shalt  }
0x58: {  	_ =	shalt  }
0x59: {  	_ =	shalt  }
0x5a: {  	_ =	shalt  }
0x5b: {  	_ =	shalt  }
0x5c: {  	_ =	shalt  }
0x5d: {  	_ =	shalt  }
0x5e: {  	_ =	shalt  }
0x5f: {  	_ =	shalt  }
0x60: {  	_ =	shalt  }
0x61: {  	_ =	shalt  }
0x62: {  	_ =	shalt  }
0x63: {  	_ =	shalt  }
0x64: {  	_ =	shalt  }
0x65: {  	_ =	shalt  }
0x66: {  	_ =	shalt  }
0x67: {  	_ =	shalt  }
0x68: {  	_ =	shalt  }
0x69: {  	_ =	shalt  }
0x6a: {  	_ =	shalt  }
0x6b: {  	_ =	shalt  }
0x6c: {  	_ =	shalt  }
0x6d: {  	_ =	shalt  }
0x6e: {  	_ =	shalt  }
0x6f: {  	_ =	shalt  }
0x70: {  	_ =	shalt  }
0x71: {  	_ =	shalt  }
0x72: {  	_ =	shalt  }
0x73: {  	_ =	shalt  }
0x74: {  	_ =	shalt  }
0x75: {  	_ =	shalt  }
0x76: {  	_ =	shalt  }
0x77: {  	_ =	shalt  }
0x78: {  	_ =	shalt  }
0x79: {  	_ =	shalt  }
0x7a: {  	_ =	shalt  }
0x7b: {  	_ =	shalt  }
0x7c: {  	_ =	shalt  }
0x7d: {  	_ =	shalt  }
0x7e: {  	_ =	shalt  }
0x7f: {  	_ =	shalt  }
0x80: {  	_ =	shalt  }
0x81: {  	_ =	shalt  }
0x82: {  	_ =	shalt  }
0x83: {  	_ =	shalt  }
0x84: {  	_ =	shalt  }
0x85: {  	_ =	shalt  }
0x86: {  	_ =	shalt  }
0x87: {  	_ =	shalt  }
.Lfunc_end0:
.L_simem_size_0:
called_computation.2_lowered:
.L_overlay_start_0:
0x88: {  	s2 =	sld [smem:$0x3FD9]  }
0x89: {  	s3 =	sld [smem:$0x3FFE];
	_ =	sdelay $0x1  }
0x8a: {  	s1 =	srdreg.scid  }
0x8b: {  	s0 =	sand.u32 $0x1, s1  }
0x8c: {  	s17 =	sshll.u32 s0, $0xA;
	s2 =	sadd.s32 s3, s2  }
0x8d: {  	s2 =	sadd.s32 s2, s17  }
0x8e: {  	[smem:$0x3FBC] =	sst s2  }
0x8f: {  	_ = 	snop  }
0x90: {  	s2 =	sld [smem:$0x3FD0];
	(tm) =	ssettm $0x1  }
0x91: {  	s18 =	sld [smem:$0x3FFB];
	_ =	sdelay $0x3  }
0x92: {  	_ =	strace s18  }
0x93: {  	s3 =	sld [smem:$0x3FFC];
	_ =	sdelay $0x3  }
0x94: {  	_ =	strace s3  }
0x95: {  	s3 =	sld [smem:$0x3FFD];
	_ =	sdelay $0x3  }
0x96: {  	_ =	strace s3  }
0x97: {  	_ =	strace $0x8FFFFFFF  }
0x98: {  	s19 =	sld [smem:$0x3FDB];
	_ =	sdelay $0x1  }
0x99: {  	s4 =	simm.s32 $_scs_section_size  }
0x9a: {  	s5 =	simm.s32 $_size__tile_overlayer_lowered;
	s6 =	simm.s32 $_tile_overlayer_lowered  }
0x9b: {  	s22 =	simm.s32 $0x1BFF;
	s21 =	sshll.u32 s6, $0x1;
	s3 =	sadd.s32 s4, s19  }
0x9c: {  	s7 =	simm.s32 $0x0;
	s20 =	sshll.u32 s5, $0x1;
	s5 =	sadd.s32 s21, s3  }
0x9d: {  	[timem:s7], [sflag:s22] =	dma.local [hbm:s5], s20  }
0x9e: {  	_ =	swait.ge [sflag:s22], s20  }
0x9f: {  	s4 =	ssub.s32 $0x0, s20;
	[sflag:s22] =	ssyncset.done $0x0  }
0xa0: {  	[sflag:s22] =	ssyncadd.s32 s4;
	_ =	sdelay $0x1  }
0xa1: {  	s23 =	simm.s32 $0x1B8B  }
0xa2: {  	_ =	swait.ge [sflag:s23], $0x1  }
0xa3: {  	[sflag:s23] =	ssyncset.done $0x0  }
0xa4: {  	s25 =	simm.s32 $0x1B8E;
	s24 =	sld [smem:$0x3FFE];
	[sflag:s23] =	ssyncadd.s32 $0xFFFFFFFF  }
0xa5: {  	s26 =	simm.s32 $execute0_lowered;
	[smem:$0x3FD2] =	sst s25  }
0xa6: {  	s5 =	sshll.u32 s26, $0x1;
	_ =	strace $0x8000004C;
	[dreg:$0x1] =	wrdreg $0xFFFFFFFF  }
0xa7: {  	s28 =	simm.s32 $_size_execute0_lowered;
	s3 =	sadd.s32 s3, s5;
	[dreg:$0x0] =	wrdreg $0x0  }
0xa8: {  	s5 =	sshll.u32 s28, $0x1;
	[dreg:$0x2] =	wrdreg s3  }
0xa9: {  	[dreg:$0x3] =	wrdreg s5  }
0xaa: {  	[dreg:$0x4] =	wrdreg $0xC0  }
0xab: {  	_ =	task [dreg:s7], $0x5FFFF  }
0xac: {  	[dreg:$0x1] =	wrdreg $0xFFFFFFFF  }
0xad: {  	[dreg:$0x0] =	wrdreg $0x60  }
0xae: {  	[dreg:$0x2] =	wrdreg s24  }
0xaf: {  	[dreg:$0x3] =	wrdreg s2  }
0xb0: {  	[dreg:$0x4] =	wrdreg $0x9  }
0xb1: {  	_ =	task.clear_ibuf [dreg:s7], $0x5FFFF;
	_ =	strace $0x9000004C  }
0xb2: {  	s29 =	simm.s32 $0x9;
	_ =	strace $0x8000004E  }
0xb3: {  	_ =	swait.ge [sflag:s29], $0x1  }
0xb4: {  	[sflag:s29] =	ssyncadd.s32 $0xFFFFFFFF  }
0xb5: {  	_ =	strace $0x9000004E  }
0xb6: {  	_ =	sfence  }
0xb7: {  	s30 =	sld [smem:$0x0];
	_ =	sdelay $0x2  }
0xb8: {  	s31 =	sshll.u32 s1, $0xD;
	s1 =	sshrl.u32 s1, $0x2  }
0xb9: {  	s3 =	sand.u32 $0x4000, s31;
	s1 =	sadd.s32 s1, s30  }
0xba: {  	s0 =	sor.u32 s3, s0;
	s1 =	sshll.u32 s1, $0x11  }
0xbb: {  	s0 =	sor.u32 s1, s0  }
0xbc: {  	s0 =	sadd.s32 $0x8F2B, s0  }
0xbd: {  	[sflag:s0] =	ssyncadd.remote.s32 $0x1  }
0xbe: {  	_ =	sfence.sel $0xFFFF  }
0xbf: {  	[dreg:$0x0] =	wrdreg $0xFFFFFFFF;
	(pc) =	sbr.abs _section_cstart, $3  }
0xc0: {  	[dreg:$0x1] =	wrdreg $0xFFFFFFFF  }
0xc1: {  	_ =	task.clear_ibuf [dreg:s7], $0x2FFFF;
	_ =	strace $0x9FFFFFFF  }
0xc2: {  	(tm) =	ssettm $0x7FFFFFFF  }
0xc3: {  	_ =	shalt  }
tec
execute0_lowered:
.L_overlay_start_1:
0x0: {  	(tag) =	ssettag $0x1  }
0x1: {  	s0 =	rddreg [dreg:$0x0]  }
0x2: {  	s5 =	rddreg [dreg:$0x1];
	s3 =	srdreg.scid  }
0x3: {  	s2 =	simm.s32 $0x0;
	s1 =	stileid.u32;
	s26 =	simm.s32 $0x880  }
0x4: {  	s10 =	simm.s32 $0x1880;
	s11 =	simm.s32 $0x2080;
	s12 =	simm.s32 $0x2880  }
0x5: {  	s13 =	simm.s32 $0x3080;
	s14 =	simm.s32 $0x3880;
	s15 =	simm.s32 $0x4080  }
0x6: {  	s16 =	simm.s32 $0x4880;
	s17 =	simm.s32 $0x5080;
	s18 =	simm.s32 $0x5880  }
0x7: {  	s19 =	simm.s32 $0x6080;
	s20 =	simm.s32 $0x6880;
	s21 =	simm.s32 $0x7080  }
0x8: {  	s22 =	simm.s32 $0x7880;
	s28 =	simm.s32 $0xA080;
	s29 =	simm.s32 $0xA880  }
0x9: {  	s30 =	simm.s32 $0xB080;
	s31 =	simm.s32 $0xB880;
	s3 =	sand.u32 $0x1, s3  }
0xa: {  	[smem:$0x7FF] =	sst s2;
	s4 =	sshll.u32 s1, $0x4;
	s6 =	sshll.u32 s3, $0x3  }
0xb: {  	_ =	strace $0x8000004D;
	s23 =	ssub.s32 $0x2, s3;
	s3 =	sadd.s32 $0x9A400, s0  }
0xc: {  	[dreg:$0x5] =	wrdreg s26;
	s26 =	simm.s32 $0x9880;
	s4 =	sor.u32 s6, s4  }
0xd: {  	s8 =	sshrl.u32 s23, $0x1;
	s7 =	sadd.s32 s4, s0;
	s9 =	smul.u32 $0x300, s4  }
0xe: {  	s6 =	ssub.s32 s23, s8;
	s4 =	sadd.s32 $0x9A500, s0;
	s8 =	simm.s32 $0x80  }
0xf: {  	s23 =	simm.s32 $0x8080;
	s24 =	sadd.s32 $0x9A200, s7;
	s6 =	smax.u32 s6, $0x1  }
0x10: {  	v2 =	vlaneseq.u32;
	s7 =	simm.s32 $0x2;
	[dreg:$0x3] =	wrdreg s24;
	s25 =	sadd.s32 s5, s9  }
0x11: {  	vm0 =	vmmov $0xffff;
	v1 =	vshrl.u32 v2, $0x3;
	s5 =	sadd.s32 $0x9A600, s0;
	s9 =	simm.s32 $0x1080;
	s24 =	simm.s32 $0x8880  }
0x12: {  	v0 =	vand.u32 $0x7, v2;
	v2 =	vor.u32 $0x8, v2;
	v1 =	vmul.u32 $0x8, v1;
	s0 =	simm.s32 $0x1;
	[dreg:$0x4] =	wrdreg s25;
	s25 =	simm.s32 $0x9080  }
.LBB2_1:
0x13: {  	s1 =	rddreg [dreg:$0x3]  }
0x14: {  	[tilespmem:s2], [sflag:$0x2] =	stream.linear.gather [hbm4b:s1+s2], $0x40, $0x38;
	[tilespmem:$0xC080] =	vst v63  }
0x15: {  	_ =	swait.ge [sflag:s7], $0x40  }
0x16: {  	[sflag:s7] =	ssyncset.done $0x0  }
0x17: {  	[sflag:s7] =	ssyncadd.s32 $0xFFFFFFC0  }
0x18: {  	v3 =	vld [tilespmem:$0x0];
	_ =	sdelay $0x4  }
0x19: {  	v4 =	vshrl.u32 v3, $0x3  }
0x1a: {  	v4 =	vmul.u32 $0x30, v4  }
0x1b: {  	v3 =	vand.u32 $0x7, v3  }
0x1c: {  	v3 =	vor.u32 v3, v4  }
0x1d: {  	v4 =	vperm.xlane v3, v0;
	_ =	sdelay $0x1  }
0x1e: {  	v4 =	vadd.s32 v1, v4;
	_ =	sdelay $0x3  }
0x1f: {  	v3 =	vperm.xlane v3, v2  }
0x20: {  	[tilespmem:s8], [sflag:$0x1] =	stream.indirect_vreg.gather [hbm4b:s3+s2], $0x80, v4, vm0, $0xb8;
	[tilespmem:$0xC080] =	vst v63  }
0x21: {  	s1 =	rddreg [dreg:$0x5];
	v3 =	vadd.s32 v1, v3  }
0x22: {  	[tilespmem:s1], [sflag:$0x1] =	stream.indirect_vreg.gather [hbm4b:s4+s2], $0x80, v4, vm0, $0xb8;
	[tilespmem:$0xC080] =	vst v63  }
0x23: {  	_ = 	snop  }
0x24: {  	[tilespmem:s9], [sflag:$0x1] =	stream.indirect_vreg.gather [hbm4b:s5+s2], $0x80, v4, vm0, $0xb8;
	[tilespmem:$0xC080] =	vst v63  }
0x25: {  	_ = 	snop  }
0x26: {  	[tilespmem:s10], [sflag:$0x1] =	stream.indirect_vreg.gather [hbm4b:s3+s2], $0x80, v3, vm0, $0xb8;
	[tilespmem:$0xC080] =	vst v63  }
0x27: {  	_ = 	snop  }
0x28: {  	[tilespmem:s11], [sflag:$0x1] =	stream.indirect_vreg.gather [hbm4b:s4+s2], $0x80, v3, vm0, $0xb8;
	[tilespmem:$0xC080] =	vst v63  }
0x29: {  	_ = 	snop  }
0x2a: {  	[tilespmem:s12], [sflag:$0x1] =	stream.indirect_vreg.gather [hbm4b:s5+s2], $0x80, v3, vm0, $0xb8;
	[tilespmem:$0xC080] =	vst v63  }
0x2b: {  	v3 =	vld [tilespmem:$0x10];
	_ =	sdelay $0x4  }
0x2c: {  	v61 =	vshrl.u32 v3, $0x3  }
0x2d: {  	v4 =	vmul.u32 $0x30, v61  }
0x2e: {  	v3 =	vand.u32 $0x7, v3  }
0x2f: {  	v3 =	vor.u32 v3, v4  }
0x30: {  	v4 =	vperm.xlane v3, v0;
	_ =	sdelay $0x1  }
0x31: {  	v4 =	vadd.s32 v1, v4;
	_ =	sdelay $0x3  }
0x32: {  	v3 =	vperm.xlane v3, v2  }
0x33: {  	[tilespmem:s13], [sflag:$0x1] =	stream.indirect_vreg.gather [hbm4b:s3+s2], $0x80, v4, vm0, $0xb8;
	[tilespmem:$0xC080] =	vst v63  }
0x34: {  	v3 =	vadd.s32 v1, v3  }
0x35: {  	[tilespmem:s14], [sflag:$0x1] =	stream.indirect_vreg.gather [hbm4b:s4+s2], $0x80, v4, vm0, $0xb8;
	[tilespmem:$0xC080] =	vst v63  }
0x36: {  	_ = 	snop  }
0x37: {  	[tilespmem:s15], [sflag:$0x1] =	stream.indirect_vreg.gather [hbm4b:s5+s2], $0x80, v4, vm0, $0xb8;
	[tilespmem:$0xC080] =	vst v63  }
0x38: {  	_ = 	snop  }
0x39: {  	[tilespmem:s16], [sflag:$0x1] =	stream.indirect_vreg.gather [hbm4b:s3+s2], $0x80, v3, vm0, $0xb8;
	[tilespmem:$0xC080] =	vst v63  }
0x3a: {  	_ = 	snop  }
0x3b: {  	[tilespmem:s17], [sflag:$0x1] =	stream.indirect_vreg.gather [hbm4b:s4+s2], $0x80, v3, vm0, $0xb8;
	[tilespmem:$0xC080] =	vst v63  }
0x3c: {  	_ = 	snop  }
0x3d: {  	[tilespmem:s18], [sflag:$0x1] =	stream.indirect_vreg.gather [hbm4b:s5+s2], $0x80, v3, vm0, $0xb8;
	[tilespmem:$0xC080] =	vst v63  }
0x3e: {  	v3 =	vld [tilespmem:$0x20];
	_ =	sdelay $0x4  }
0x3f: {  	v62 =	vshrl.u32 v3, $0x3  }
0x40: {  	v4 =	vmul.u32 $0x30, v62  }
0x41: {  	v3 =	vand.u32 $0x7, v3  }
0x42: {  	v3 =	vor.u32 v3, v4  }
0x43: {  	v4 =	vperm.xlane v3, v0;
	_ =	sdelay $0x1  }
0x44: {  	v4 =	vadd.s32 v1, v4;
	_ =	sdelay $0x3  }
0x45: {  	v3 =	vperm.xlane v3, v2  }
0x46: {  	[tilespmem:s19], [sflag:$0x1] =	stream.indirect_vreg.gather [hbm4b:s3+s2], $0x80, v4, vm0, $0xb8;
	[tilespmem:$0xC080] =	vst v63  }
0x47: {  	v3 =	vadd.s32 v1, v3  }
0x48: {  	[tilespmem:s20], [sflag:$0x1] =	stream.indirect_vreg.gather [hbm4b:s4+s2], $0x80, v4, vm0, $0xb8;
	[tilespmem:$0xC080] =	vst v63  }
0x49: {  	_ = 	snop  }
0x4a: {  	[tilespmem:s21], [sflag:$0x1] =	stream.indirect_vreg.gather [hbm4b:s5+s2], $0x80, v4, vm0, $0xb8;
	[tilespmem:$0xC080] =	vst v63  }
0x4b: {  	_ = 	snop  }
0x4c: {  	[tilespmem:s22], [sflag:$0x1] =	stream.indirect_vreg.gather [hbm4b:s3+s2], $0x80, v3, vm0, $0xb8;
	[tilespmem:$0xC080] =	vst v63  }
0x4d: {  	_ = 	snop  }
0x4e: {  	[tilespmem:s23], [sflag:$0x1] =	stream.indirect_vreg.gather [hbm4b:s4+s2], $0x80, v3, vm0, $0xb8;
	[tilespmem:$0xC080] =	vst v63  }
0x4f: {  	_ = 	snop  }
0x50: {  	[tilespmem:s24], [sflag:$0x1] =	stream.indirect_vreg.gather [hbm4b:s5+s2], $0x80, v3, vm0, $0xb8;
	[tilespmem:$0xC080] =	vst v63  }
0x51: {  	v3 =	vld [tilespmem:$0x30];
	_ =	sdelay $0x4  }
0x52: {  	v63 =	vshrl.u32 v3, $0x3  }
0x53: {  	v4 =	vmul.u32 $0x30, v63  }
0x54: {  	v3 =	vand.u32 $0x7, v3  }
0x55: {  	v3 =	vor.u32 v3, v4  }
0x56: {  	v4 =	vperm.xlane v3, v0;
	_ =	sdelay $0x1  }
0x57: {  	v4 =	vadd.s32 v1, v4;
	_ =	sdelay $0x3  }
0x58: {  	v3 =	vperm.xlane v3, v2  }
0x59: {  	[tilespmem:s25], [sflag:$0x1] =	stream.indirect_vreg.gather [hbm4b:s3+s2], $0x80, v4, vm0, $0xb8;
	[tilespmem:$0xC080] =	vst v63  }
0x5a: {  	v3 =	vadd.s32 v1, v3  }
0x5b: {  	[tilespmem:s26], [sflag:$0x1] =	stream.indirect_vreg.gather [hbm4b:s4+s2], $0x80, v4, vm0, $0xb8;
	[tilespmem:$0xC080] =	vst v63  }
0x5c: {  	_ = 	snop  }
0x5d: {  	[tilespmem:s28], [sflag:$0x1] =	stream.indirect_vreg.gather [hbm4b:s5+s2], $0x80, v4, vm0, $0xb8;
	[tilespmem:$0xC080] =	vst v63  }
0x5e: {  	_ = 	snop  }
0x5f: {  	[tilespmem:s29], [sflag:$0x1] =	stream.indirect_vreg.gather [hbm4b:s3+s2], $0x80, v3, vm0, $0xb8;
	[tilespmem:$0xC080] =	vst v63  }
0x60: {  	_ = 	snop  }
0x61: {  	[tilespmem:s30], [sflag:$0x1] =	stream.indirect_vreg.gather [hbm4b:s4+s2], $0x80, v3, vm0, $0xb8;
	[tilespmem:$0xC080] =	vst v63  }
0x62: {  	_ = 	snop  }
0x63: {  	[tilespmem:s31], [sflag:$0x1] =	stream.indirect_vreg.gather [hbm4b:s5+s2], $0x80, v3, vm0, $0xb8;
	[tilespmem:$0xC080] =	vst v63  }
0x64: {  	_ =	swait.ge [sflag:s0], $0xC000  }
0x65: {  	p0 =	sne.s32 s6, $0x1;
	[sflag:s0] =	ssyncset.done $0x0  }
.Ltmp0:
0x66: {  	s1 =	rddreg [dreg:$0x4];
	[sflag:s0] =	ssyncadd.s32 $0xFFFF4000;
	(pc) =	sbr.rel @p0 .LBB2_1-.Ltmp0, $4  }
0x67: {  	[hbm4b:s1+s2] =	stream.linear.scatter [tilespmem:s8], [sflag:$0x2], $0xC000, $0x38;
	[tilespmem:$0xC080] =	vst v63  }
0x68: {  	_ =	swait.ge [sflag:s7], $0xC000  }
0x69: {  	[sflag:s7] =	ssyncset.done $0x0  }
0x6a: {  	s6 =	sadd.s32 $0xFFFFFFFF, s6;
	[sflag:s7] =	ssyncadd.s32 $0xFFFF4000  }
0x6b: {  	_ =	sfence.sel $0x180000  }
0x6c: {  	[bflag:$0x0] =	sbarrier.arrive $0xFFFF  }
0x6d: {  	_ =	strace $0x9000004D  }
0x6e: {  	s0 =	stileid.u32;
	[bflag:$0x2] =	sbarrier.arrive $0xFFFF  }
0x6f: {  	p0 =	sne.s32 s0, $0x0;
	s0 =	rddreg [dreg:$0x2]  }
0x70: {  	s0 =	sadd.s32 @!p0 $0x100000, s0  }
0x71: {  	[sflag:s0] =	ssyncadd.tile.s32 @!p0 $0x1;
	_ =	shalt  }
.Lfunc_end2:
_tile_overlayer_lowered:
.L_overlay_start_2:
0x72: {  	(tag) =	ssettag $0x2  }
0x73: {  	s0 =	rddreg [dreg:$0x0];
	s2 =	stileid.u32  }
0x74: {  	s1 =	rddreg [dreg:$0x1];
	p0 =	sne.s32 s2, $0x0  }
0x75: {  	s3 =	rddreg [dreg:$0x2];
	[bflag:$0x3] =	sbarrier.arrive $0xFFFF;
	s2 =	simm.s32 @!p0 $0x1C02  }
0x76: {  	[timem:s3], [sflag:s2] =	dma.local @!p0 [hbm:s0], s1  }
0x77: {  	s0 =	simm.s32 @!p0 $0x2  }
0x78: {  	_ =	swait.ge @!p0 [sflag:s0], s1  }
0x79: {  	s1 =	ssub.s32 @!p0 $0x0, s1;
	[sflag:s0] =	ssyncset.done @!p0 $0x0  }
0x7a: {  	[sflag:s0] =	ssyncadd.s32 @!p0 s1  }
0x7b: {  	[bflag:$0x3] =	sbarrier.arrive $0xFFFF  }
0x7c: {  	_ =	shalt  }

// kernel: kernel.7.cloned.1.call-start
scs
__scs_entry_jumppad:
0x0: {  	(pc) =	sbr.rel $0x88, $3  }
0x1: {  	(tag) =	ssettag $0x0;
	lr =	simm.s32 $0x1  }
0x2: {  	[smem:$0x3F95] =	sst lr;
	_ =	strace $0xD0000000  }
0x3: {  	_ = 	snop  }
0x4: {  	_ = 	snop  }
0x5: {  	_ = 	snop  }
0x6: {  	_ = 	snop  }
0x7: {  	_ = 	snop  }
__scs_overlays_trampoline_lowered:
0x8: {  	[smem:$0x3FA4] =	sst s0  }
0x9: {  	[smem:$0x3FA5] =	sst s1  }
0xa: {  	[smem:$0x3FA6] =	sst s2  }
0xb: {  	[smem:$0x3FA7] =	sst s3  }
0xc: {  	[smem:$0x3FA8] =	sst s4  }
0xd: {  	[smem:$0x3FA9] =	sst s5  }
0xe: {  	[smem:$0x3FAA] =	sst s6  }
0xf: {  	[smem:$0x3FAB] =	sst s7  }
0x10: {  	[smem:$0x3FAC] =	sst s8  }
0x11: {  	[smem:$0x3FAD] =	sst s9;
	s0 =	simm.s32 @!p0 $0x0  }
0x12: {  	s1 =	sld [smem:$0x3F93];
	s0 =	simm.s32 @p0 $0x1  }
0x13: {  	[smem:$0x3FAE] =	sst s0;
	s0 =	simm.s32 @!p1 $0x0  }
0x14: {  	s2 =	sld [smem:$0x3F92];
	s0 =	simm.s32 @p1 $0x1  }
0x15: {  	[smem:$0x3FAF] =	sst s0;
	s0 =	simm.s32 @!p2 $0x0  }
0x16: {  	s3 =	sld [smem:$0x3FDB];
	s0 =	simm.s32 @p2 $0x1  }
0x17: {  	s4 =	simm.s32 $0x1BF5;
	[smem:$0x3FB1] =	sst s0  }
0x18: {  	s0 =	sld [smem:$0x3F94];
	_ =	swait.ge [sflag:s4], $0x0  }
0x19: {  	s7 =	sld [smem:$0x3F95]  }
0x1a: {  	s8 =	sadd.s32 $0xFFFFE003, lr  }
0x1b: {  	s9 =	sadd.s32 $0xFFFFFEF7, lr;
	s5 =	simm.s32 $0xFFFFFFFF;
	p2 =	slt.u32 s8, $0xFFFFF086  }
0x1c: {  	p1 =	slt.u32 s9, $0xF7A;
	s5 =	simm.s32 @!p2 $0x0  }
0x1d: {  	s5 =	simm.s32 @p1 $0x1;
	p0 =	seq.s32 s7, s2  }
0x1e: {  	s7 =	smul.u32 @!p0 $0xF7A, s2;
	p2 =	seq.s32 @!p0 s5, $0x0  }
0x1f: {  	s9 =	smul.u32 $0xF7A, s1;
	s8 =	simm.s32 @!p0 $0x1BF5;
	p2 =	por !p2, p0  }
0x20: {  	[sflag:s8] =	ssyncset.s32 @!p0 $0xFFFFF086;
	s6 =	sadd.s32 @!p0 s3, s7;
	s7 =	simm.s32 @!p0 $0x108  }
0x21: {  	s3 =	sadd.s32 s3, s9;
	s6 =	sadd.s32 @!p0 $0x88, s6;
	s7 =	simm.s32 @p2 $0x1082  }
0x22: {  	[simem:s7], [sflag:s8] =	dma.local @!p0 [hbm:s6], $0xF7A  }
0x23: {  	s9 =	sor.u32 $0xD0000000, s2;
	s6 =	simm.s32 $0x108;
	_ =	swait.ge @!p0 [sflag:s8], $0x0  }
0x24: {  	s3 =	sadd.s32 $0x88, s3;
	s6 =	simm.s32 @!p1 $0x1082;
	[sflag:s4] =	ssyncset.s32 $0xFFFFF086  }
0x25: {  	[simem:s6], [sflag:s4] =	dma.local [hbm:s3], $0xF7A  }
0x26: {  	[smem:$0x3F95] =	sst s1;
	(tag) =	ssettag s2;
	_ =	strace s9  }
0x27: {  	s1 =	sld [smem:$0x3FA5]  }
0x28: {  	s2 =	sld [smem:$0x3FA6]  }
0x29: {  	s4 =	sld [smem:$0x3FA8]  }
0x2a: {  	p0 =	seq.s32 s5, $0x0;
	s5 =	sld [smem:$0x3FA9]  }
0x2b: {  	s6 =	sld [smem:$0x3FAA]  }
0x2c: {  	s7 =	sld [smem:$0x3FAB]  }
0x2d: {  	s3 =	simm.s32 $0x108;
	s8 =	sld [smem:$0x3FAC]  }
0x2e: {  	s3 =	simm.s32 @!p0 $0x1082;
	s9 =	sld [smem:$0x3FAD]  }
0x2f: {  	lr =	sadd.s32 s0, s3;
	s0 =	sld [smem:$0x3FA4]  }
0x30: {  	s3 =	sld [smem:$0x3FA7]  }
0x31: {  	[smem:$0x3FB0] =	sst s10  }
0x32: {  	s10 =	sld [smem:$0x3FAE];
	_ =	sdelay $0x3  }
0x33: {  	p0 =	seq.s32 s10, $0x1;
	s10 =	sld [smem:$0x3FB0];
	_ =	sdelay $0x3  }
0x34: {  	[smem:$0x3FB0] =	sst s10  }
0x35: {  	s10 =	sld [smem:$0x3FAF];
	_ =	sdelay $0x3  }
0x36: {  	p1 =	seq.s32 s10, $0x1;
	s10 =	sld [smem:$0x3FB0];
	_ =	sdelay $0x3  }
0x37: {  	[smem:$0x3FB0] =	sst s10  }
0x38: {  	s10 =	sld [smem:$0x3FB1]  }
0x39: {  	_ = 	snop;
	(pc) =	sbr.ind lr, $3  }
0x3a: {  	_ = 	snop  }
0x3b: {  	_ = 	snop  }
0x3c: {  	p2 =	seq.s32 s10, $0x1;
	s10 =	sld [smem:$0x3FB0]  }
0x3d: {  	_ =	shalt  }
0x3e: {  	_ =	shalt  }
0x3f: {  	_ =	shalt  }
0x40: {  	_ =	shalt  }
0x41: {  	_ =	shalt  }
0x42: {  	_ =	shalt  }
0x43: {  	_ =	shalt  }
0x44: {  	_ =	shalt  }
0x45: {  	_ =	shalt  }
0x46: {  	_ =	shalt  }
0x47: {  	_ =	shalt  }
0x48: {  	_ =	shalt  }
0x49: {  	_ =	shalt  }
0x4a: {  	_ =	shalt  }
0x4b: {  	_ =	shalt  }
0x4c: {  	_ =	shalt  }
0x4d: {  	_ =	shalt  }
0x4e: {  	_ =	shalt  }
0x4f: {  	_ =	shalt  }
0x50: {  	_ =	shalt  }
0x51: {  	_ =	shalt  }
0x52: {  	_ =	shalt  }
0x53: {  	_ =	shalt  }
0x54: {  	_ =	shalt  }
0x55: {  	_ =	shalt  }
0x56: {  	_ =	shalt  }
0x57: {  	_ =	shalt  }
0x58: {  	_ =	shalt  }
0x59: {  	_ =	shalt  }
0x5a: {  	_ =	shalt  }
0x5b: {  	_ =	shalt  }
0x5c: {  	_ =	shalt  }
0x5d: {  	_ =	shalt  }
0x5e: {  	_ =	shalt  }
0x5f: {  	_ =	shalt  }
0x60: {  	_ =	shalt  }
0x61: {  	_ =	shalt  }
0x62: {  	_ =	shalt  }
0x63: {  	_ =	shalt  }
0x64: {  	_ =	shalt  }
0x65: {  	_ =	shalt  }
0x66: {  	_ =	shalt  }
0x67: {  	_ =	shalt  }
0x68: {  	_ =	shalt  }
0x69: {  	_ =	shalt  }
0x6a: {  	_ =	shalt  }
0x6b: {  	_ =	shalt  }
0x6c: {  	_ =	shalt  }
0x6d: {  	_ =	shalt  }
0x6e: {  	_ =	shalt  }
0x6f: {  	_ =	shalt  }
0x70: {  	_ =	shalt  }
0x71: {  	_ =	shalt  }
0x72: {  	_ =	shalt  }
0x73: {  	_ =	shalt  }
0x74: {  	_ =	shalt  }
0x75: {  	_ =	shalt  }
0x76: {  	_ =	shalt  }
0x77: {  	_ =	shalt  }
0x78: {  	_ =	shalt  }
0x79: {  	_ =	shalt  }
0x7a: {  	_ =	shalt  }
0x7b: {  	_ =	shalt  }
0x7c: {  	_ =	shalt  }
0x7d: {  	_ =	shalt  }
0x7e: {  	_ =	shalt  }
0x7f: {  	_ =	shalt  }
0x80: {  	_ =	shalt  }
0x81: {  	_ =	shalt  }
0x82: {  	_ =	shalt  }
0x83: {  	_ =	shalt  }
0x84: {  	_ =	shalt  }
0x85: {  	_ =	shalt  }
0x86: {  	_ =	shalt  }
0x87: {  	_ =	shalt  }
.Lfunc_end0:
.L_simem_size_0:
called_computation.1_lowered:
.L_overlay_start_0:
0x88: {  	s2 =	sld [smem:$0x3FD9]  }
0x89: {  	s3 =	sld [smem:$0x3FFE];
	_ =	sdelay $0x1  }
0x8a: {  	s1 =	srdreg.scid  }
0x8b: {  	s0 =	sand.u32 $0x1, s1  }
0x8c: {  	s17 =	sshll.u32 s0, $0xA;
	s2 =	sadd.s32 s3, s2  }
0x8d: {  	s2 =	sadd.s32 s2, s17  }
0x8e: {  	[smem:$0x3FBC] =	sst s2  }
0x8f: {  	_ = 	snop  }
0x90: {  	s2 =	sld [smem:$0x3FC9];
	(tm) =	ssettm $0x1  }
0x91: {  	s18 =	sld [smem:$0x3FFB];
	_ =	sdelay $0x3  }
0x92: {  	_ =	strace s18  }
0x93: {  	s3 =	sld [smem:$0x3FFC];
	_ =	sdelay $0x3  }
0x94: {  	_ =	strace s3  }
0x95: {  	s3 =	sld [smem:$0x3FFD];
	_ =	sdelay $0x3  }
0x96: {  	_ =	strace s3  }
0x97: {  	_ =	strace $0x8FFFFFFF  }
0x98: {  	s19 =	sld [smem:$0x3FDB];
	_ =	sdelay $0x1  }
0x99: {  	s4 =	simm.s32 $_scs_section_size  }
0x9a: {  	s5 =	simm.s32 $_size__tile_overlayer_lowered;
	s6 =	simm.s32 $_tile_overlayer_lowered  }
0x9b: {  	s22 =	simm.s32 $0x1BFF;
	s21 =	sshll.u32 s6, $0x1;
	s3 =	sadd.s32 s4, s19  }
0x9c: {  	s7 =	simm.s32 $0x0;
	s20 =	sshll.u32 s5, $0x1;
	s5 =	sadd.s32 s21, s3  }
0x9d: {  	[timem:s7], [sflag:s22] =	dma.local [hbm:s5], s20  }
0x9e: {  	_ =	swait.ge [sflag:s22], s20  }
0x9f: {  	s4 =	ssub.s32 $0x0, s20;
	[sflag:s22] =	ssyncset.done $0x0  }
0xa0: {  	[sflag:s22] =	ssyncadd.s32 s4;
	_ =	sdelay $0x1  }
0xa1: {  	s23 =	simm.s32 $0x1B8B  }
0xa2: {  	_ =	swait.ge [sflag:s23], $0x1  }
0xa3: {  	[sflag:s23] =	ssyncset.done $0x0  }
0xa4: {  	s25 =	simm.s32 $0x1B8E;
	s24 =	sld [smem:$0x3FFE];
	[sflag:s23] =	ssyncadd.s32 $0xFFFFFFFF  }
0xa5: {  	s26 =	simm.s32 $execute0_lowered;
	[smem:$0x3FD2] =	sst s25  }
0xa6: {  	s5 =	sshll.u32 s26, $0x1;
	_ =	strace $0x80000049;
	[dreg:$0x1] =	wrdreg $0xFFFFFFFF  }
0xa7: {  	s28 =	simm.s32 $_size_execute0_lowered;
	s3 =	sadd.s32 s3, s5;
	[dreg:$0x0] =	wrdreg $0x0  }
0xa8: {  	s5 =	sshll.u32 s28, $0x1;
	[dreg:$0x2] =	wrdreg s3  }
0xa9: {  	[dreg:$0x3] =	wrdreg s5  }
0xaa: {  	[dreg:$0x4] =	wrdreg $0xC0  }
0xab: {  	_ =	task [dreg:s7], $0x5FFFF  }
0xac: {  	[dreg:$0x1] =	wrdreg $0xFFFFFFFF  }
0xad: {  	[dreg:$0x0] =	wrdreg $0x60  }
0xae: {  	[dreg:$0x2] =	wrdreg s2  }
0xaf: {  	[dreg:$0x3] =	wrdreg s24  }
0xb0: {  	[dreg:$0x4] =	wrdreg $0x9  }
0xb1: {  	_ =	task.clear_ibuf [dreg:s7], $0x5FFFF;
	_ =	strace $0x90000049  }
0xb2: {  	s29 =	simm.s32 $0x9;
	_ =	strace $0x8000004B  }
0xb3: {  	_ =	swait.ge [sflag:s29], $0x1  }
0xb4: {  	[sflag:s29] =	ssyncadd.s32 $0xFFFFFFFF  }
0xb5: {  	_ =	strace $0x9000004B  }
0xb6: {  	_ =	sfence  }
0xb7: {  	s30 =	sld [smem:$0x0];
	_ =	sdelay $0x2  }
0xb8: {  	s31 =	sshll.u32 s1, $0xD;
	s1 =	sshrl.u32 s1, $0x2  }
0xb9: {  	s3 =	sand.u32 $0x4000, s31;
	s1 =	sadd.s32 s1, s30  }
0xba: {  	s0 =	sor.u32 s3, s0;
	s1 =	sshll.u32 s1, $0x11  }
0xbb: {  	s0 =	sor.u32 s1, s0  }
0xbc: {  	s0 =	sadd.s32 $0x8F2B, s0  }
0xbd: {  	[sflag:s0] =	ssyncadd.remote.s32 $0x1  }
0xbe: {  	_ =	sfence.sel $0xFFFF  }
0xbf: {  	[dreg:$0x0] =	wrdreg $0xFFFFFFFF;
	(pc) =	sbr.abs _section_cstart, $3  }
0xc0: {  	[dreg:$0x1] =	wrdreg $0xFFFFFFFF  }
0xc1: {  	_ =	task.clear_ibuf [dreg:s7], $0x2FFFF;
	_ =	strace $0x9FFFFFFF  }
0xc2: {  	(tm) =	ssettm $0x7FFFFFFF  }
0xc3: {  	_ =	shalt  }
tec
execute0_lowered:
.L_overlay_start_1:
0x0: {  	(tag) =	ssettag $0x1  }
0x1: {  	s0 =	srdreg.scid  }
0x2: {  	s1 =	stileid.u32;
	s2 =	rddreg [dreg:$0x0]  }
0x3: {  	s4 =	rddreg [dreg:$0x1];
	s3 =	simm.s32 $0x0;
	s7 =	simm.s32 $0x2  }
0x4: {  	s10 =	simm.s32 $0x880;
	s11 =	simm.s32 $0x1080;
	s12 =	simm.s32 $0x1880  }
0x5: {  	s13 =	simm.s32 $0x2080;
	s14 =	simm.s32 $0x2880;
	s15 =	simm.s32 $0x3080  }
0x6: {  	s16 =	simm.s32 $0x3880;
	s17 =	simm.s32 $0x4080;
	s18 =	simm.s32 $0x4880  }
0x7: {  	s19 =	simm.s32 $0x5080;
	s0 =	sand.u32 $0x1, s0;
	s1 =	sshll.u32 s1, $0x1  }
0x8: {  	s20 =	simm.s32 $0x5880;
	s21 =	simm.s32 $0x6080;
	s1 =	sor.u32 s0, s1  }
0x9: {  	s28 =	simm.s32 $0x9080;
	s29 =	simm.s32 $0x9880;
	s1 =	smul.u32 $0xC0, s1  }
0xa: {  	s30 =	simm.s32 $0xA080;
	s31 =	simm.s32 $0xA880;
	s0 =	ssub.s32 $0x2, s0  }
0xb: {  	[smem:$0x7FF] =	sst s3;
	s6 =	sshrl.u32 s0, $0x1;
	s1 =	sshrl.u32 s1, $0x3  }
0xc: {  	s0 =	ssub.s32 s0, s6;
	s5 =	smul.u32 $0x300, s1;
	s1 =	sadd.s32 s1, s4  }
0xd: {  	_ =	strace $0x8000004A;
	s6 =	smax.u32 s0, $0x1;
	s22 =	sadd.s32 $0x8000, s1  }
0xe: {  	s0 =	simm.s32 $0x1;
	s24 =	sadd.s32 $0x8008, s1;
	[dreg:$0x3] =	wrdreg s22  }
0xf: {  	s1 =	sadd.s32 $0x8010, s1;
	s4 =	sadd.s32 s5, s4;
	[dreg:$0x5] =	wrdreg s24  }
0x10: {  	[dreg:$0x7] =	wrdreg s1;
	s5 =	sadd.s32 $0x200, s2;
	s23 =	sadd.s32 $0x8400, s4  }
0x11: {  	s1 =	simm.s32 $0x80;
	s25 =	sadd.s32 $0x9C00, s4;
	[dreg:$0x4] =	wrdreg s23  }
0x12: {  	v2 =	vlaneseq.u32;
	s22 =	simm.s32 $0x6880;
	s26 =	sadd.s32 $0xB400, s4;
	[dreg:$0x6] =	wrdreg s25  }
0x13: {  	vm0 =	vmmov $0xffff;
	v1 =	vshrl.u32 v2, $0x3;
	s24 =	simm.s32 $0x7880;
	s4 =	sadd.s32 $0x100, s2;
	[dreg:$0x8] =	wrdreg s26  }
0x14: {  	v0 =	vand.u32 $0x7, v2;
	v2 =	vor.u32 $0x8, v2;
	v1 =	vmul.u32 $0x8, v1;
	s23 =	simm.s32 $0x7080;
	s25 =	simm.s32 $0x8080;
	s26 =	simm.s32 $0x8880  }
.LBB2_1:
0x15: {  	s9 =	rddreg [dreg:$0x3]  }
0x16: {  	[tilespmem:s3], [sflag:$0x2] =	stream.linear.gather [hbm4b:s9+s3], $0x40, $0x38;
	[tilespmem:$0xC080] =	vst v63  }
0x17: {  	_ =	swait.ge [sflag:s7], $0x40  }
0x18: {  	[sflag:s7] =	ssyncset.done $0x0  }
0x19: {  	[sflag:s7] =	ssyncadd.s32 $0xFFFFFFC0  }
0x1a: {  	v3 =	vld [tilespmem:$0x0];
	_ =	sdelay $0x4  }
0x1b: {  	v4 =	vshrl.u32 v3, $0x3  }
0x1c: {  	v4 =	vmul.u32 $0x30, v4  }
0x1d: {  	v3 =	vand.u32 $0x7, v3  }
0x1e: {  	v3 =	vor.u32 v3, v4  }
0x1f: {  	v4 =	vperm.xlane v3, v0;
	_ =	sdelay $0x1  }
0x20: {  	v4 =	vadd.s32 v1, v4;
	_ =	sdelay $0x3  }
0x21: {  	v3 =	vperm.xlane v3, v2  }
0x22: {  	[tilespmem:s1], [sflag:$0x1] =	stream.indirect_vreg.gather [hbm4b:s2+s3], $0x80, v4, vm0, $0xb8;
	[tilespmem:$0xC080] =	vst v63  }
0x23: {  	v3 =	vadd.s32 v1, v3  }
0x24: {  	[tilespmem:s10], [sflag:$0x1] =	stream.indirect_vreg.gather [hbm4b:s4+s3], $0x80, v4, vm0, $0xb8;
	[tilespmem:$0xC080] =	vst v63  }
0x25: {  	_ = 	snop  }
0x26: {  	[tilespmem:s11], [sflag:$0x1] =	stream.indirect_vreg.gather [hbm4b:s5+s3], $0x80, v4, vm0, $0xb8;
	[tilespmem:$0xC080] =	vst v63  }
0x27: {  	_ = 	snop  }
0x28: {  	[tilespmem:s12], [sflag:$0x1] =	stream.indirect_vreg.gather [hbm4b:s2+s3], $0x80, v3, vm0, $0xb8;
	[tilespmem:$0xC080] =	vst v63  }
0x29: {  	_ = 	snop  }
0x2a: {  	[tilespmem:s13], [sflag:$0x1] =	stream.indirect_vreg.gather [hbm4b:s4+s3], $0x80, v3, vm0, $0xb8;
	[tilespmem:$0xC080] =	vst v63  }
0x2b: {  	_ = 	snop  }
0x2c: {  	[tilespmem:s14], [sflag:$0x1] =	stream.indirect_vreg.gather [hbm4b:s5+s3], $0x80, v3, vm0, $0xb8;
	[tilespmem:$0xC080] =	vst v63  }
0x2d: {  	v3 =	vld [tilespmem:$0x10];
	_ =	sdelay $0x4  }
0x2e: {  	v53 =	vshrl.u32 v3, $0x3  }
0x2f: {  	v4 =	vmul.u32 $0x30, v53  }
0x30: {  	v3 =	vand.u32 $0x7, v3  }
0x31: {  	v3 =	vor.u32 v3, v4  }
0x32: {  	v4 =	vperm.xlane v3, v0;
	_ =	sdelay $0x1  }
0x33: {  	v4 =	vadd.s32 v1, v4;
	_ =	sdelay $0x3  }
0x34: {  	v3 =	vperm.xlane v3, v2  }
0x35: {  	[tilespmem:s15], [sflag:$0x1] =	stream.indirect_vreg.gather [hbm4b:s2+s3], $0x80, v4, vm0, $0xb8;
	[tilespmem:$0xC080] =	vst v63  }
0x36: {  	v3 =	vadd.s32 v1, v3  }
0x37: {  	[tilespmem:s16], [sflag:$0x1] =	stream.indirect_vreg.gather [hbm4b:s4+s3], $0x80, v4, vm0, $0xb8;
	[tilespmem:$0xC080] =	vst v63  }
0x38: {  	_ = 	snop  }
0x39: {  	[tilespmem:s17], [sflag:$0x1] =	stream.indirect_vreg.gather [hbm4b:s5+s3], $0x80, v4, vm0, $0xb8;
	[tilespmem:$0xC080] =	vst v63  }
0x3a: {  	_ = 	snop  }
0x3b: {  	[tilespmem:s18], [sflag:$0x1] =	stream.indirect_vreg.gather [hbm4b:s2+s3], $0x80, v3, vm0, $0xb8;
	[tilespmem:$0xC080] =	vst v63  }
0x3c: {  	_ = 	snop  }
0x3d: {  	[tilespmem:s19], [sflag:$0x1] =	stream.indirect_vreg.gather [hbm4b:s4+s3], $0x80, v3, vm0, $0xb8;
	[tilespmem:$0xC080] =	vst v63  }
0x3e: {  	_ = 	snop  }
0x3f: {  	[tilespmem:s20], [sflag:$0x1] =	stream.indirect_vreg.gather [hbm4b:s5+s3], $0x80, v3, vm0, $0xb8;
	[tilespmem:$0xC080] =	vst v63  }
0x40: {  	v3 =	vld [tilespmem:$0x20];
	_ =	sdelay $0x4  }
0x41: {  	v54 =	vshrl.u32 v3, $0x3  }
0x42: {  	v4 =	vmul.u32 $0x30, v54  }
0x43: {  	v3 =	vand.u32 $0x7, v3  }
0x44: {  	v3 =	vor.u32 v3, v4  }
0x45: {  	v4 =	vperm.xlane v3, v0;
	_ =	sdelay $0x1  }
0x46: {  	v4 =	vadd.s32 v1, v4;
	_ =	sdelay $0x3  }
0x47: {  	v3 =	vperm.xlane v3, v2  }
0x48: {  	[tilespmem:s21], [sflag:$0x1] =	stream.indirect_vreg.gather [hbm4b:s2+s3], $0x80, v4, vm0, $0xb8;
	[tilespmem:$0xC080] =	vst v63  }
0x49: {  	v3 =	vadd.s32 v1, v3  }
0x4a: {  	[tilespmem:s22], [sflag:$0x1] =	stream.indirect_vreg.gather [hbm4b:s4+s3], $0x80, v4, vm0, $0xb8;
	[tilespmem:$0xC080] =	vst v63  }
0x4b: {  	_ = 	snop  }
0x4c: {  	[tilespmem:s23], [sflag:$0x1] =	stream.indirect_vreg.gather [hbm4b:s5+s3], $0x80, v4, vm0, $0xb8;
	[tilespmem:$0xC080] =	vst v63  }
0x4d: {  	_ = 	snop  }
0x4e: {  	[tilespmem:s24], [sflag:$0x1] =	stream.indirect_vreg.gather [hbm4b:s2+s3], $0x80, v3, vm0, $0xb8;
	[tilespmem:$0xC080] =	vst v63  }
0x4f: {  	_ = 	snop  }
0x50: {  	[tilespmem:s25], [sflag:$0x1] =	stream.indirect_vreg.gather [hbm4b:s4+s3], $0x80, v3, vm0, $0xb8;
	[tilespmem:$0xC080] =	vst v63  }
0x51: {  	_ = 	snop  }
0x52: {  	[tilespmem:s26], [sflag:$0x1] =	stream.indirect_vreg.gather [hbm4b:s5+s3], $0x80, v3, vm0, $0xb8;
	[tilespmem:$0xC080] =	vst v63  }
0x53: {  	v3 =	vld [tilespmem:$0x30];
	_ =	sdelay $0x4  }
0x54: {  	v55 =	vshrl.u32 v3, $0x3  }
0x55: {  	v4 =	vmul.u32 $0x30, v55  }
0x56: {  	v3 =	vand.u32 $0x7, v3  }
0x57: {  	v3 =	vor.u32 v3, v4  }
0x58: {  	v4 =	vperm.xlane v3, v0;
	_ =	sdelay $0x1  }
0x59: {  	v4 =	vadd.s32 v1, v4;
	_ =	sdelay $0x3  }
0x5a: {  	v3 =	vperm.xlane v3, v2  }
0x5b: {  	[tilespmem:s28], [sflag:$0x1] =	stream.indirect_vreg.gather [hbm4b:s2+s3], $0x80, v4, vm0, $0xb8;
	[tilespmem:$0xC080] =	vst v63  }
0x5c: {  	v3 =	vadd.s32 v1, v3  }
0x5d: {  	[tilespmem:s29], [sflag:$0x1] =	stream.indirect_vreg.gather [hbm4b:s4+s3], $0x80, v4, vm0, $0xb8;
	[tilespmem:$0xC080] =	vst v63  }
0x5e: {  	_ = 	snop  }
0x5f: {  	[tilespmem:s30], [sflag:$0x1] =	stream.indirect_vreg.gather [hbm4b:s5+s3], $0x80, v4, vm0, $0xb8;
	[tilespmem:$0xC080] =	vst v63  }
0x60: {  	_ = 	snop  }
0x61: {  	[tilespmem:s31], [sflag:$0x1] =	stream.indirect_vreg.gather [hbm4b:s2+s3], $0x80, v3, vm0, $0xb8;
	[tilespmem:$0xC080] =	vst v63  }
0x62: {  	s8 =	simm.s32 $0xB080  }
0x63: {  	[tilespmem:s8], [sflag:$0x1] =	stream.indirect_vreg.gather [hbm4b:s4+s3], $0x80, v3, vm0, $0xb8;
	[tilespmem:$0xC080] =	vst v63  }
0x64: {  	s8 =	simm.s32 $0xB880  }
0x65: {  	[tilespmem:s8], [sflag:$0x1] =	stream.indirect_vreg.gather [hbm4b:s5+s3], $0x80, v3, vm0, $0xb8;
	[tilespmem:$0xC080] =	vst v63  }
0x66: {  	_ =	swait.ge [sflag:s0], $0xC000  }
0x67: {  	[sflag:s0] =	ssyncset.done $0x0  }
0x68: {  	s9 =	rddreg [dreg:$0x4];
	[sflag:s0] =	ssyncadd.s32 $0xFFFF4000  }
0x69: {  	[hbm4b:s9+s3] =	stream.linear.scatter [tilespmem:s1], [sflag:$0x2], $0xC000, $0x38;
	[tilespmem:$0xC080] =	vst v63  }
0x6a: {  	_ =	swait.ge [sflag:s7], $0xC000  }
0x6b: {  	[sflag:s7] =	ssyncset.done $0x0  }
0x6c: {  	s9 =	rddreg [dreg:$0x5];
	[sflag:s7] =	ssyncadd.s32 $0xFFFF4000  }
0x6d: {  	[tilespmem:s3], [sflag:$0x2] =	stream.linear.gather [hbm4b:s9+s3], $0x40, $0x38;
	[tilespmem:$0xC080] =	vst v63  }
0x6e: {  	_ =	swait.ge [sflag:s7], $0x40  }
0x6f: {  	[sflag:s7] =	ssyncset.done $0x0  }
0x70: {  	[sflag:s7] =	ssyncadd.s32 $0xFFFFFFC0  }
0x71: {  	v3 =	vld [tilespmem:$0x0];
	_ =	sdelay $0x4  }
0x72: {  	v56 =	vshrl.u32 v3, $0x3  }
0x73: {  	v4 =	vmul.u32 $0x30, v56  }
0x74: {  	v3 =	vand.u32 $0x7, v3  }
0x75: {  	v3 =	vor.u32 v3, v4  }
0x76: {  	v4 =	vperm.xlane v3, v0;
	_ =	sdelay $0x1  }
0x77: {  	v4 =	vadd.s32 v1, v4;
	_ =	sdelay $0x3  }
0x78: {  	v3 =	vperm.xlane v3, v2  }
0x79: {  	[tilespmem:s1], [sflag:$0x1] =	stream.indirect_vreg.gather [hbm4b:s2+s3], $0x80, v4, vm0, $0xb8;
	[tilespmem:$0xC080] =	vst v63  }
0x7a: {  	v3 =	vadd.s32 v1, v3  }
0x7b: {  	[tilespmem:s10], [sflag:$0x1] =	stream.indirect_vreg.gather [hbm4b:s4+s3], $0x80, v4, vm0, $0xb8;
	[tilespmem:$0xC080] =	vst v63  }
0x7c: {  	_ = 	snop  }
0x7d: {  	[tilespmem:s11], [sflag:$0x1] =	stream.indirect_vreg.gather [hbm4b:s5+s3], $0x80, v4, vm0, $0xb8;
	[tilespmem:$0xC080] =	vst v63  }
0x7e: {  	_ = 	snop  }
0x7f: {  	[tilespmem:s12], [sflag:$0x1] =	stream.indirect_vreg.gather [hbm4b:s2+s3], $0x80, v3, vm0, $0xb8;
	[tilespmem:$0xC080] =	vst v63  }
0x80: {  	_ = 	snop  }
0x81: {  	[tilespmem:s13], [sflag:$0x1] =	stream.indirect_vreg.gather [hbm4b:s4+s3], $0x80, v3, vm0, $0xb8;
	[tilespmem:$0xC080] =	vst v63  }
0x82: {  	_ = 	snop  }
0x83: {  	[tilespmem:s14], [sflag:$0x1] =	stream.indirect_vreg.gather [hbm4b:s5+s3], $0x80, v3, vm0, $0xb8;
	[tilespmem:$0xC080] =	vst v63  }
0x84: {  	v3 =	vld [tilespmem:$0x10];
	_ =	sdelay $0x4  }
0x85: {  	v57 =	vshrl.u32 v3, $0x3  }
0x86: {  	v4 =	vmul.u32 $0x30, v57  }
0x87: {  	v3 =	vand.u32 $0x7, v3  }
0x88: {  	v3 =	vor.u32 v3, v4  }
0x89: {  	v4 =	vperm.xlane v3, v0;
	_ =	sdelay $0x1  }
0x8a: {  	v4 =	vadd.s32 v1, v4;
	_ =	sdelay $0x3  }
0x8b: {  	v3 =	vperm.xlane v3, v2  }
0x8c: {  	[tilespmem:s15], [sflag:$0x1] =	stream.indirect_vreg.gather [hbm4b:s2+s3], $0x80, v4, vm0, $0xb8;
	[tilespmem:$0xC080] =	vst v63  }
0x8d: {  	v3 =	vadd.s32 v1, v3  }
0x8e: {  	[tilespmem:s16], [sflag:$0x1] =	stream.indirect_vreg.gather [hbm4b:s4+s3], $0x80, v4, vm0, $0xb8;
	[tilespmem:$0xC080] =	vst v63  }
0x8f: {  	_ = 	snop  }
0x90: {  	[tilespmem:s17], [sflag:$0x1] =	stream.indirect_vreg.gather [hbm4b:s5+s3], $0x80, v4, vm0, $0xb8;
	[tilespmem:$0xC080] =	vst v63  }
0x91: {  	_ = 	snop  }
0x92: {  	[tilespmem:s18], [sflag:$0x1] =	stream.indirect_vreg.gather [hbm4b:s2+s3], $0x80, v3, vm0, $0xb8;
	[tilespmem:$0xC080] =	vst v63  }
0x93: {  	_ = 	snop  }
0x94: {  	[tilespmem:s19], [sflag:$0x1] =	stream.indirect_vreg.gather [hbm4b:s4+s3], $0x80, v3, vm0, $0xb8;
	[tilespmem:$0xC080] =	vst v63  }
0x95: {  	_ = 	snop  }
0x96: {  	[tilespmem:s20], [sflag:$0x1] =	stream.indirect_vreg.gather [hbm4b:s5+s3], $0x80, v3, vm0, $0xb8;
	[tilespmem:$0xC080] =	vst v63  }
0x97: {  	v3 =	vld [tilespmem:$0x20];
	_ =	sdelay $0x4  }
0x98: {  	v58 =	vshrl.u32 v3, $0x3  }
0x99: {  	v4 =	vmul.u32 $0x30, v58  }
0x9a: {  	v3 =	vand.u32 $0x7, v3  }
0x9b: {  	v3 =	vor.u32 v3, v4  }
0x9c: {  	v4 =	vperm.xlane v3, v0;
	_ =	sdelay $0x1  }
0x9d: {  	v4 =	vadd.s32 v1, v4;
	_ =	sdelay $0x3  }
0x9e: {  	v3 =	vperm.xlane v3, v2  }
0x9f: {  	[tilespmem:s21], [sflag:$0x1] =	stream.indirect_vreg.gather [hbm4b:s2+s3], $0x80, v4, vm0, $0xb8;
	[tilespmem:$0xC080] =	vst v63  }
0xa0: {  	v3 =	vadd.s32 v1, v3  }
0xa1: {  	[tilespmem:s22], [sflag:$0x1] =	stream.indirect_vreg.gather [hbm4b:s4+s3], $0x80, v4, vm0, $0xb8;
	[tilespmem:$0xC080] =	vst v63  }
0xa2: {  	_ = 	snop  }
0xa3: {  	[tilespmem:s23], [sflag:$0x1] =	stream.indirect_vreg.gather [hbm4b:s5+s3], $0x80, v4, vm0, $0xb8;
	[tilespmem:$0xC080] =	vst v63  }
0xa4: {  	_ = 	snop  }
0xa5: {  	[tilespmem:s24], [sflag:$0x1] =	stream.indirect_vreg.gather [hbm4b:s2+s3], $0x80, v3, vm0, $0xb8;
	[tilespmem:$0xC080] =	vst v63  }
0xa6: {  	_ = 	snop  }
0xa7: {  	[tilespmem:s25], [sflag:$0x1] =	stream.indirect_vreg.gather [hbm4b:s4+s3], $0x80, v3, vm0, $0xb8;
	[tilespmem:$0xC080] =	vst v63  }
0xa8: {  	_ = 	snop  }
0xa9: {  	[tilespmem:s26], [sflag:$0x1] =	stream.indirect_vreg.gather [hbm4b:s5+s3], $0x80, v3, vm0, $0xb8;
	[tilespmem:$0xC080] =	vst v63  }
0xaa: {  	v3 =	vld [tilespmem:$0x30];
	_ =	sdelay $0x4  }
0xab: {  	v59 =	vshrl.u32 v3, $0x3  }
0xac: {  	v4 =	vmul.u32 $0x30, v59  }
0xad: {  	v3 =	vand.u32 $0x7, v3  }
0xae: {  	v3 =	vor.u32 v3, v4  }
0xaf: {  	v4 =	vperm.xlane v3, v0;
	_ =	sdelay $0x1  }
0xb0: {  	v4 =	vadd.s32 v1, v4;
	_ =	sdelay $0x3  }
0xb1: {  	v3 =	vperm.xlane v3, v2  }
0xb2: {  	[tilespmem:s28], [sflag:$0x1] =	stream.indirect_vreg.gather [hbm4b:s2+s3], $0x80, v4, vm0, $0xb8;
	[tilespmem:$0xC080] =	vst v63  }
0xb3: {  	v3 =	vadd.s32 v1, v3  }
0xb4: {  	[tilespmem:s29], [sflag:$0x1] =	stream.indirect_vreg.gather [hbm4b:s4+s3], $0x80, v4, vm0, $0xb8;
	[tilespmem:$0xC080] =	vst v63  }
0xb5: {  	_ = 	snop  }
0xb6: {  	[tilespmem:s30], [sflag:$0x1] =	stream.indirect_vreg.gather [hbm4b:s5+s3], $0x80, v4, vm0, $0xb8;
	[tilespmem:$0xC080] =	vst v63  }
0xb7: {  	_ = 	snop  }
0xb8: {  	[tilespmem:s31], [sflag:$0x1] =	stream.indirect_vreg.gather [hbm4b:s2+s3], $0x80, v3, vm0, $0xb8;
	[tilespmem:$0xC080] =	vst v63  }
0xb9: {  	s9 =	simm.s32 $0xB080  }
0xba: {  	[tilespmem:s9], [sflag:$0x1] =	stream.indirect_vreg.gather [hbm4b:s4+s3], $0x80, v3, vm0, $0xb8;
	[tilespmem:$0xC080] =	vst v63  }
0xbb: {  	_ = 	snop  }
0xbc: {  	[tilespmem:s8], [sflag:$0x1] =	stream.indirect_vreg.gather [hbm4b:s5+s3], $0x80, v3, vm0, $0xb8;
	[tilespmem:$0xC080] =	vst v63  }
0xbd: {  	_ =	swait.ge [sflag:s0], $0xC000  }
0xbe: {  	[sflag:s0] =	ssyncset.done $0x0  }
0xbf: {  	s9 =	rddreg [dreg:$0x6];
	[sflag:s0] =	ssyncadd.s32 $0xFFFF4000  }
0xc0: {  	[hbm4b:s9+s3] =	stream.linear.scatter [tilespmem:s1], [sflag:$0x2], $0xC000, $0x38;
	[tilespmem:$0xC080] =	vst v63  }
0xc1: {  	_ =	swait.ge [sflag:s7], $0xC000  }
0xc2: {  	[sflag:s7] =	ssyncset.done $0x0  }
0xc3: {  	s9 =	rddreg [dreg:$0x7];
	[sflag:s7] =	ssyncadd.s32 $0xFFFF4000  }
0xc4: {  	[tilespmem:s3], [sflag:$0x2] =	stream.linear.gather [hbm4b:s9+s3], $0x40, $0x38;
	[tilespmem:$0xC080] =	vst v63  }
0xc5: {  	_ =	swait.ge [sflag:s7], $0x40  }
0xc6: {  	[sflag:s7] =	ssyncset.done $0x0  }
0xc7: {  	[sflag:s7] =	ssyncadd.s32 $0xFFFFFFC0  }
0xc8: {  	v3 =	vld [tilespmem:$0x0];
	_ =	sdelay $0x4  }
0xc9: {  	v60 =	vshrl.u32 v3, $0x3  }
0xca: {  	v4 =	vmul.u32 $0x30, v60  }
0xcb: {  	v3 =	vand.u32 $0x7, v3  }
0xcc: {  	v3 =	vor.u32 v3, v4  }
0xcd: {  	v4 =	vperm.xlane v3, v0;
	_ =	sdelay $0x1  }
0xce: {  	v4 =	vadd.s32 v1, v4;
	_ =	sdelay $0x3  }
0xcf: {  	v3 =	vperm.xlane v3, v2  }
0xd0: {  	[tilespmem:s1], [sflag:$0x1] =	stream.indirect_vreg.gather [hbm4b:s2+s3], $0x80, v4, vm0, $0xb8;
	[tilespmem:$0xC080] =	vst v63  }
0xd1: {  	v3 =	vadd.s32 v1, v3  }
0xd2: {  	[tilespmem:s10], [sflag:$0x1] =	stream.indirect_vreg.gather [hbm4b:s4+s3], $0x80, v4, vm0, $0xb8;
	[tilespmem:$0xC080] =	vst v63  }
0xd3: {  	_ = 	snop  }
0xd4: {  	[tilespmem:s11], [sflag:$0x1] =	stream.indirect_vreg.gather [hbm4b:s5+s3], $0x80, v4, vm0, $0xb8;
	[tilespmem:$0xC080] =	vst v63  }
0xd5: {  	_ = 	snop  }
0xd6: {  	[tilespmem:s12], [sflag:$0x1] =	stream.indirect_vreg.gather [hbm4b:s2+s3], $0x80, v3, vm0, $0xb8;
	[tilespmem:$0xC080] =	vst v63  }
0xd7: {  	_ = 	snop  }
0xd8: {  	[tilespmem:s13], [sflag:$0x1] =	stream.indirect_vreg.gather [hbm4b:s4+s3], $0x80, v3, vm0, $0xb8;
	[tilespmem:$0xC080] =	vst v63  }
0xd9: {  	_ = 	snop  }
0xda: {  	[tilespmem:s14], [sflag:$0x1] =	stream.indirect_vreg.gather [hbm4b:s5+s3], $0x80, v3, vm0, $0xb8;
	[tilespmem:$0xC080] =	vst v63  }
0xdb: {  	v3 =	vld [tilespmem:$0x10];
	_ =	sdelay $0x4  }
0xdc: {  	v61 =	vshrl.u32 v3, $0x3  }
0xdd: {  	v4 =	vmul.u32 $0x30, v61  }
0xde: {  	v3 =	vand.u32 $0x7, v3  }
0xdf: {  	v3 =	vor.u32 v3, v4  }
0xe0: {  	v4 =	vperm.xlane v3, v0;
	_ =	sdelay $0x1  }
0xe1: {  	v4 =	vadd.s32 v1, v4;
	_ =	sdelay $0x3  }
0xe2: {  	v3 =	vperm.xlane v3, v2  }
0xe3: {  	[tilespmem:s15], [sflag:$0x1] =	stream.indirect_vreg.gather [hbm4b:s2+s3], $0x80, v4, vm0, $0xb8;
	[tilespmem:$0xC080] =	vst v63  }
0xe4: {  	v3 =	vadd.s32 v1, v3  }
0xe5: {  	[tilespmem:s16], [sflag:$0x1] =	stream.indirect_vreg.gather [hbm4b:s4+s3], $0x80, v4, vm0, $0xb8;
	[tilespmem:$0xC080] =	vst v63  }
0xe6: {  	_ = 	snop  }
0xe7: {  	[tilespmem:s17], [sflag:$0x1] =	stream.indirect_vreg.gather [hbm4b:s5+s3], $0x80, v4, vm0, $0xb8;
	[tilespmem:$0xC080] =	vst v63  }
0xe8: {  	_ = 	snop  }
0xe9: {  	[tilespmem:s18], [sflag:$0x1] =	stream.indirect_vreg.gather [hbm4b:s2+s3], $0x80, v3, vm0, $0xb8;
	[tilespmem:$0xC080] =	vst v63  }
0xea: {  	_ = 	snop  }
0xeb: {  	[tilespmem:s19], [sflag:$0x1] =	stream.indirect_vreg.gather [hbm4b:s4+s3], $0x80, v3, vm0, $0xb8;
	[tilespmem:$0xC080] =	vst v63  }
0xec: {  	_ = 	snop  }
0xed: {  	[tilespmem:s20], [sflag:$0x1] =	stream.indirect_vreg.gather [hbm4b:s5+s3], $0x80, v3, vm0, $0xb8;
	[tilespmem:$0xC080] =	vst v63  }
0xee: {  	v3 =	vld [tilespmem:$0x20];
	_ =	sdelay $0x4  }
0xef: {  	v62 =	vshrl.u32 v3, $0x3  }
0xf0: {  	v4 =	vmul.u32 $0x30, v62  }
0xf1: {  	v3 =	vand.u32 $0x7, v3  }
0xf2: {  	v3 =	vor.u32 v3, v4  }
0xf3: {  	v4 =	vperm.xlane v3, v0;
	_ =	sdelay $0x1  }
0xf4: {  	v4 =	vadd.s32 v1, v4;
	_ =	sdelay $0x3  }
0xf5: {  	v3 =	vperm.xlane v3, v2  }
0xf6: {  	[tilespmem:s21], [sflag:$0x1] =	stream.indirect_vreg.gather [hbm4b:s2+s3], $0x80, v4, vm0, $0xb8;
	[tilespmem:$0xC080] =	vst v63  }
0xf7: {  	v3 =	vadd.s32 v1, v3  }
0xf8: {  	[tilespmem:s22], [sflag:$0x1] =	stream.indirect_vreg.gather [hbm4b:s4+s3], $0x80, v4, vm0, $0xb8;
	[tilespmem:$0xC080] =	vst v63  }
0xf9: {  	_ = 	snop  }
0xfa: {  	[tilespmem:s23], [sflag:$0x1] =	stream.indirect_vreg.gather [hbm4b:s5+s3], $0x80, v4, vm0, $0xb8;
	[tilespmem:$0xC080] =	vst v63  }
0xfb: {  	_ = 	snop  }
0xfc: {  	[tilespmem:s24], [sflag:$0x1] =	stream.indirect_vreg.gather [hbm4b:s2+s3], $0x80, v3, vm0, $0xb8;
	[tilespmem:$0xC080] =	vst v63  }
0xfd: {  	_ = 	snop  }
0xfe: {  	[tilespmem:s25], [sflag:$0x1] =	stream.indirect_vreg.gather [hbm4b:s4+s3], $0x80, v3, vm0, $0xb8;
	[tilespmem:$0xC080] =	vst v63  }
0xff: {  	_ = 	snop  }
0x100: {  	[tilespmem:s26], [sflag:$0x1] =	stream.indirect_vreg.gather [hbm4b:s5+s3], $0x80, v3, vm0, $0xb8;
	[tilespmem:$0xC080] =	vst v63  }
0x101: {  	v3 =	vld [tilespmem:$0x30];
	_ =	sdelay $0x4  }
0x102: {  	v63 =	vshrl.u32 v3, $0x3  }
0x103: {  	v4 =	vmul.u32 $0x30, v63  }
0x104: {  	v3 =	vand.u32 $0x7, v3  }
0x105: {  	v3 =	vor.u32 v3, v4  }
0x106: {  	v4 =	vperm.xlane v3, v0;
	_ =	sdelay $0x1  }
0x107: {  	v4 =	vadd.s32 v1, v4;
	_ =	sdelay $0x3  }
0x108: {  	v3 =	vperm.xlane v3, v2  }
0x109: {  	[tilespmem:s28], [sflag:$0x1] =	stream.indirect_vreg.gather [hbm4b:s2+s3], $0x80, v4, vm0, $0xb8;
	[tilespmem:$0xC080] =	vst v63  }
0x10a: {  	v3 =	vadd.s32 v1, v3  }
0x10b: {  	[tilespmem:s29], [sflag:$0x1] =	stream.indirect_vreg.gather [hbm4b:s4+s3], $0x80, v4, vm0, $0xb8;
	[tilespmem:$0xC080] =	vst v63  }
0x10c: {  	_ = 	snop  }
0x10d: {  	[tilespmem:s30], [sflag:$0x1] =	stream.indirect_vreg.gather [hbm4b:s5+s3], $0x80, v4, vm0, $0xb8;
	[tilespmem:$0xC080] =	vst v63  }
0x10e: {  	_ = 	snop  }
0x10f: {  	[tilespmem:s31], [sflag:$0x1] =	stream.indirect_vreg.gather [hbm4b:s2+s3], $0x80, v3, vm0, $0xb8;
	[tilespmem:$0xC080] =	vst v63  }
0x110: {  	s9 =	simm.s32 $0xB080  }
0x111: {  	[tilespmem:s9], [sflag:$0x1] =	stream.indirect_vreg.gather [hbm4b:s4+s3], $0x80, v3, vm0, $0xb8;
	[tilespmem:$0xC080] =	vst v63  }
0x112: {  	_ = 	snop  }
0x113: {  	[tilespmem:s8], [sflag:$0x1] =	stream.indirect_vreg.gather [hbm4b:s5+s3], $0x80, v3, vm0, $0xb8;
	[tilespmem:$0xC080] =	vst v63  }
0x114: {  	_ =	swait.ge [sflag:s0], $0xC000  }
0x115: {  	p0 =	sne.s32 s6, $0x1;
	[sflag:s0] =	ssyncset.done $0x0  }
.Ltmp0:
0x116: {  	s8 =	rddreg [dreg:$0x8];
	[sflag:s0] =	ssyncadd.s32 $0xFFFF4000;
	(pc) =	sbr.rel @p0 .LBB2_1-.Ltmp0, $4  }
0x117: {  	[hbm4b:s8+s3] =	stream.linear.scatter [tilespmem:s1], [sflag:$0x2], $0xC000, $0x38;
	[tilespmem:$0xC080] =	vst v63  }
0x118: {  	_ =	swait.ge [sflag:s7], $0xC000  }
0x119: {  	[sflag:s7] =	ssyncset.done $0x0  }
0x11a: {  	s6 =	sadd.s32 $0xFFFFFFFF, s6;
	[sflag:s7] =	ssyncadd.s32 $0xFFFF4000  }
0x11b: {  	_ =	sfence.sel $0x180000  }
0x11c: {  	[bflag:$0x0] =	sbarrier.arrive $0xFFFF  }
0x11d: {  	_ =	strace $0x9000004A  }
0x11e: {  	s0 =	stileid.u32;
	[bflag:$0x2] =	sbarrier.arrive $0xFFFF  }
0x11f: {  	p0 =	sne.s32 s0, $0x0;
	s0 =	rddreg [dreg:$0x2]  }
0x120: {  	s0 =	sadd.s32 @!p0 $0x100000, s0  }
0x121: {  	[sflag:s0] =	ssyncadd.tile.s32 @!p0 $0x1;
	_ =	shalt  }
.Lfunc_end2:
_tile_overlayer_lowered:
.L_overlay_start_2:
0x122: {  	(tag) =	ssettag $0x2  }
0x123: {  	s0 =	rddreg [dreg:$0x0];
	s2 =	stileid.u32  }
0x124: {  	s1 =	rddreg [dreg:$0x1];
	p0 =	sne.s32 s2, $0x0  }
0x125: {  	s3 =	rddreg [dreg:$0x2];
	[bflag:$0x3] =	sbarrier.arrive $0xFFFF;
	s2 =	simm.s32 @!p0 $0x1C02  }
0x126: {  	[timem:s3], [sflag:s2] =	dma.local @!p0 [hbm:s0], s1  }
0x127: {  	s0 =	simm.s32 @!p0 $0x2  }
0x128: {  	_ =	swait.ge @!p0 [sflag:s0], s1  }
0x129: {  	s1 =	ssub.s32 @!p0 $0x0, s1;
	[sflag:s0] =	ssyncset.done @!p0 $0x0  }
0x12a: {  	[sflag:s0] =	ssyncadd.s32 @!p0 s1  }
0x12b: {  	[bflag:$0x3] =	sbarrier.arrive $0xFFFF  }
0x12c: {  	_ =	shalt  }

</sc_bundles>
